<compile_context>
chip_gen: v7x
topology: tpu7x:2x2x1
jax: 0.10.2.dev20260603
libtpu: 0.0.44.dev20260713+nightly
codegen_flags: <defaults>
</compile_context>

<pallas_src>
import functools

import jax
import jax.numpy as jnp
from jax import lax
from jax.experimental import pallas as pl
from jax.experimental.pallas import tpu as pltpu
from jax.experimental.pallas import tpu_sc as plsc

INIT_SIZE = 8192
EMB_DIM = 1024
ORIGIN_SHIFT = INIT_SIZE // 2 + 1

NUM_SC_CORES = 2
NUM_SUBCORES = 16
NUM_WORKERS = NUM_SC_CORES * NUM_SUBCORES

CHUNK = 16
DEPTH_IN = 5
NBUF = 7


def _sc_row_range_copy(embed, n_rows, start_row):
    emb_dim = embed.shape[1]
    rows_per_w = n_rows // NUM_WORKERS
    n_chunks = rows_per_w // CHUNK
    assert rows_per_w * NUM_WORKERS == n_rows
    assert n_chunks * CHUNK == rows_per_w
    assert CHUNK % 16 == 0

    mesh = plsc.VectorSubcoreMesh(core_axis_name="c", subcore_axis_name="s")

    @functools.partial(
        pl.kernel,
        mesh=mesh,
        out_type=jax.ShapeDtypeStruct((n_rows, emb_dim), embed.dtype),
        scratch_types=(
            [pltpu.VMEM((CHUNK, emb_dim), embed.dtype) for _ in range(NBUF)]
            + [pltpu.VMEM((CHUNK,), jnp.int32) for _ in range(n_chunks)]
            + [pltpu.SemaphoreType.DMA for _ in range(2 * NBUF)]
        ),
    )
    def body(embed_hbm, out_hbm, *scratch):
        bufs = scratch[:NBUF]
        idxs = scratch[NBUF:NBUF + n_chunks]
        sin = scratch[NBUF + n_chunks:NBUF + n_chunks + NBUF]
        sout = scratch[NBUF + n_chunks + NBUF:]
        wid = lax.axis_index("s") * NUM_SC_CORES + lax.axis_index("c")
        base = wid * rows_per_w

        iota16 = lax.iota(jnp.int32, 16)
        for i in range(n_chunks):
            for k in range(CHUNK // 16):
                idxs[i][pl.ds(16 * k, 16)] = (
                    iota16 + (base + start_row + i * CHUNK + 16 * k))

        def in_copy(i):
            return pltpu.make_async_copy(
                embed_hbm.at[idxs[i]], bufs[i % NBUF], sin[i % NBUF])

        def out_copy(i):
            return pltpu.make_async_copy(
                bufs[i % NBUF],
                out_hbm.at[pl.ds(base + i * CHUNK, CHUNK)],
                sout[i % NBUF])

        outs = [None] * n_chunks
        for i in range(min(DEPTH_IN, n_chunks)):
            in_copy(i).start()
        for i in range(n_chunks):
            in_copy(i).wait()
            oc = out_copy(i)
            oc.start()
            outs[i] = oc
            j = i + DEPTH_IN
            if j < n_chunks:
                k = j - NBUF
                if k >= 0:
                    outs[k].wait()
                    outs[k] = None
                in_copy(j).start()
        for oc in outs:
            if oc is not None:
                oc.wait()

    return body(embed)


def kernel(input, embed):
    bsz, seq_len = input.shape
    n_rows = 2 * seq_len
    start_row = ORIGIN_SHIFT - seq_len
    return _sc_row_range_copy(embed, n_rows, start_row)

# --- scband reference (transcript-rebuilt; emitter-appended) ---
"""Pipeline reference for scband-relative-positional-embedding-38156489457866 (READ-ONLY COPY).

The authoritative reference and input builder live on the scoring server;
editing this copy changes nothing except your own understanding.
"""

import jax, jax.numpy as jnp
import numpy as np

INIT_SIZE = 8192
EMB_DIM = 1024
PADDING_IDX = 0
ORIGIN_SHIFT = INIT_SIZE // 2 + 1  # num_embeddings // 2 + 1 with num_embeddings = init_size + 1


def setup_inputs(seed: int = 0) -> dict:
    key = jax.random.key(seed)
    k1, k2 = jax.random.split(key)
    inp = jax.random.randint(k1, (4, 4096), 0, 8192).astype(jnp.int64)
    # xavier_normal_ on [INIT_SIZE+1, EMB_DIM]: std = sqrt(2 / (fan_in + fan_out))
    std = (2.0 / ((INIT_SIZE + 1) + EMB_DIM)) ** 0.5
    embed = jax.random.normal(k2, (INIT_SIZE + 1, EMB_DIM), dtype=jnp.float32) * std
    embed = embed.at[PADDING_IDX].set(0.0)
    return {"input": inp, "embed": embed}


def reference(input, embed):
    bsz, seq_len = input.shape
    positions = jnp.arange(-seq_len, seq_len, dtype=jnp.int32) + ORIGIN_SHIFT
    out = jnp.take(embed, positions, axis=0)
    return out

if __name__ == "__main__":
    import jax
    _d = setup_inputs()
    print(jax.jit(kernel)(*tuple(_d.values())))

</pallas_src>

<mosaic_0001>
#map = affine_map<(d0, d1) -> (0, 0)>
module attributes {stable_mosaic.version = 14 : i64} {
  func.func @body(%arg0: i32, %arg1: i32, %arg2: memref<8193x1024xf32, #tpu.memory_space<hbm>>, %arg3: memref<8192x1024xf32, #tpu.memory_space<hbm>>, %arg4: memref<16x1024xf32, #tpu.memory_space<vmem>>, %arg5: memref<16x1024xf32, #tpu.memory_space<vmem>>, %arg6: memref<16x1024xf32, #tpu.memory_space<vmem>>, %arg7: memref<16x1024xf32, #tpu.memory_space<vmem>>, %arg8: memref<16x1024xf32, #tpu.memory_space<vmem>>, %arg9: memref<16x1024xf32, #tpu.memory_space<vmem>>, %arg10: memref<16x1024xf32, #tpu.memory_space<vmem>>, %arg11: memref<16xi32, #tpu.memory_space<vmem>>, %arg12: memref<16xi32, #tpu.memory_space<vmem>>, %arg13: memref<16xi32, #tpu.memory_space<vmem>>, %arg14: memref<16xi32, #tpu.memory_space<vmem>>, %arg15: memref<16xi32, #tpu.memory_space<vmem>>, %arg16: memref<16xi32, #tpu.memory_space<vmem>>, %arg17: memref<16xi32, #tpu.memory_space<vmem>>, %arg18: memref<16xi32, #tpu.memory_space<vmem>>, %arg19: memref<16xi32, #tpu.memory_space<vmem>>, %arg20: memref<16xi32, #tpu.memory_space<vmem>>, %arg21: memref<16xi32, #tpu.memory_space<vmem>>, %arg22: memref<16xi32, #tpu.memory_space<vmem>>, %arg23: memref<16xi32, #tpu.memory_space<vmem>>, %arg24: memref<16xi32, #tpu.memory_space<vmem>>, %arg25: memref<16xi32, #tpu.memory_space<vmem>>, %arg26: memref<16xi32, #tpu.memory_space<vmem>>, %arg27: memref<!tpu.dma_semaphore, #tpu.memory_space<semaphore_mem>>, %arg28: memref<!tpu.dma_semaphore, #tpu.memory_space<semaphore_mem>>, %arg29: memref<!tpu.dma_semaphore, #tpu.memory_space<semaphore_mem>>, %arg30: memref<!tpu.dma_semaphore, #tpu.memory_space<semaphore_mem>>, %arg31: memref<!tpu.dma_semaphore, #tpu.memory_space<semaphore_mem>>, %arg32: memref<!tpu.dma_semaphore, #tpu.memory_space<semaphore_mem>>, %arg33: memref<!tpu.dma_semaphore, #tpu.memory_space<semaphore_mem>>, %arg34: memref<!tpu.dma_semaphore, #tpu.memory_space<semaphore_mem>>, %arg35: memref<!tpu.dma_semaphore, #tpu.memory_space<semaphore_mem>>, %arg36: memref<!tpu.dma_semaphore, #tpu.memory_space<semaphore_mem>>, %arg37: memref<!tpu.dma_semaphore, #tpu.memory_space<semaphore_mem>>, %arg38: memref<!tpu.dma_semaphore, #tpu.memory_space<semaphore_mem>>, %arg39: memref<!tpu.dma_semaphore, #tpu.memory_space<semaphore_mem>>, %arg40: memref<!tpu.dma_semaphore, #tpu.memory_space<semaphore_mem>>) attributes {dimension_semantics = [#tpu.dimension_semantics<core_parallel>, #tpu.dimension_semantics<subcore_parallel>], iteration_bounds = array<i64: 2, 16>, scalar_prefetch = 0 : i64, scratch_operands = 37 : i64, tpu.core_type = #tpu.core_type<sc_vector_subcore>, window_params = [{transform_indices = #map}, {transform_indices = #map}]} {
    %mul3A = arith.constant 2 : i32
    %mul3A_0 = arith.muli %arg1, %mul3A : i32
    %add3A = arith.addi %mul3A_0, %arg0 : i32
    %mul3A_1 = arith.constant 256 : i32
    %mul3A_2 = arith.muli %add3A, %mul3A_1 : i32
    %iota3A = tpu.iota {dimensions = array<i32: 0>} : vector<16xi32>
    %add3A_3 = arith.constant 1 : i32
    %add3A_4 = arith.addi %mul3A_2, %add3A_3 : i32
    %add3A_5 = arith.constant 0 : i32
    %add3A_6 = arith.addi %add3A_4, %add3A_5 : i32
    %add3A_7 = arith.constant 0 : i32
    %add3A_8 = arith.addi %add3A_6, %add3A_7 : i32
    %add3A_9 = vector.broadcast %add3A_8 : i32 to vector<16xi32>
    %add3A_10 = arith.addi %iota3A, %add3A_9 : vector<16xi32>
    %swap3A = arith.constant 0 : index
    %swap3A_11 = tpu.vector_load %arg11[%swap3A] {strides = array<i32>} : memref<16xi32, #tpu.memory_space<vmem>>, vector<16xi32>,
    %swap3A_12 = vector.shape_cast %swap3A_11 : vector<16xi32> to vector<16xi32>
    %swap3A_13 = vector.shape_cast %add3A_10 : vector<16xi32> to vector<16xi32>
    tpu.vector_store %arg11[%swap3A], %swap3A_13 {strides = array<i32>} : memref<16xi32, #tpu.memory_space<vmem>>, vector<16xi32>,
    %add3A_14 = arith.constant 1 : i32
    %add3A_15 = arith.addi %mul3A_2, %add3A_14 : i32
    %add3A_16 = arith.constant 16 : i32
    %add3A_17 = arith.addi %add3A_15, %add3A_16 : i32
    %add3A_18 = arith.constant 0 : i32
    %add3A_19 = arith.addi %add3A_17, %add3A_18 : i32
    %add3A_20 = vector.broadcast %add3A_19 : i32 to vector<16xi32>
    %add3A_21 = arith.addi %iota3A, %add3A_20 : vector<16xi32>
    %swap3A_22 = arith.constant 0 : index
    %swap3A_23 = tpu.vector_load %arg12[%swap3A_22] {strides = array<i32>} : memref<16xi32, #tpu.memory_space<vmem>>, vector<16xi32>,
    %swap3A_24 = vector.shape_cast %swap3A_23 : vector<16xi32> to vector<16xi32>
    %swap3A_25 = vector.shape_cast %add3A_21 : vector<16xi32> to vector<16xi32>
    tpu.vector_store %arg12[%swap3A_22], %swap3A_25 {strides = array<i32>} : memref<16xi32, #tpu.memory_space<vmem>>, vector<16xi32>,
    %add3A_26 = arith.constant 1 : i32
    %add3A_27 = arith.addi %mul3A_2, %add3A_26 : i32
    %add3A_28 = arith.constant 32 : i32
    %add3A_29 = arith.addi %add3A_27, %add3A_28 : i32
    %add3A_30 = arith.constant 0 : i32
    %add3A_31 = arith.addi %add3A_29, %add3A_30 : i32
    %add3A_32 = vector.broadcast %add3A_31 : i32 to vector<16xi32>
    %add3A_33 = arith.addi %iota3A, %add3A_32 : vector<16xi32>
    %swap3A_34 = arith.constant 0 : index
    %swap3A_35 = tpu.vector_load %arg13[%swap3A_34] {strides = array<i32>} : memref<16xi32, #tpu.memory_space<vmem>>, vector<16xi32>,
    %swap3A_36 = vector.shape_cast %swap3A_35 : vector<16xi32> to vector<16xi32>
    %swap3A_37 = vector.shape_cast %add3A_33 : vector<16xi32> to vector<16xi32>
    tpu.vector_store %arg13[%swap3A_34], %swap3A_37 {strides = array<i32>} : memref<16xi32, #tpu.memory_space<vmem>>, vector<16xi32>,
    %add3A_38 = arith.constant 1 : i32
    %add3A_39 = arith.addi %mul3A_2, %add3A_38 : i32
    %add3A_40 = arith.constant 48 : i32
    %add3A_41 = arith.addi %add3A_39, %add3A_40 : i32
    %add3A_42 = arith.constant 0 : i32
    %add3A_43 = arith.addi %add3A_41, %add3A_42 : i32
    %add3A_44 = vector.broadcast %add3A_43 : i32 to vector<16xi32>
    %add3A_45 = arith.addi %iota3A, %add3A_44 : vector<16xi32>
    %swap3A_46 = arith.constant 0 : index
    %swap3A_47 = tpu.vector_load %arg14[%swap3A_46] {strides = array<i32>} : memref<16xi32, #tpu.memory_space<vmem>>, vector<16xi32>,
    %swap3A_48 = vector.shape_cast %swap3A_47 : vector<16xi32> to vector<16xi32>
    %swap3A_49 = vector.shape_cast %add3A_45 : vector<16xi32> to vector<16xi32>
    tpu.vector_store %arg14[%swap3A_46], %swap3A_49 {strides = array<i32>} : memref<16xi32, #tpu.memory_space<vmem>>, vector<16xi32>,
    %add3A_50 = arith.constant 1 : i32
    %add3A_51 = arith.addi %mul3A_2, %add3A_50 : i32
    %add3A_52 = arith.constant 64 : i32
    %add3A_53 = arith.addi %add3A_51, %add3A_52 : i32
    %add3A_54 = arith.constant 0 : i32
    %add3A_55 = arith.addi %add3A_53, %add3A_54 : i32
    %add3A_56 = vector.broadcast %add3A_55 : i32 to vector<16xi32>
    %add3A_57 = arith.addi %iota3A, %add3A_56 : vector<16xi32>
    %swap3A_58 = arith.constant 0 : index
    %swap3A_59 = tpu.vector_load %arg15[%swap3A_58] {strides = array<i32>} : memref<16xi32, #tpu.memory_space<vmem>>, vector<16xi32>,
    %swap3A_60 = vector.shape_cast %swap3A_59 : vector<16xi32> to vector<16xi32>
    %swap3A_61 = vector.shape_cast %add3A_57 : vector<16xi32> to vector<16xi32>
    tpu.vector_store %arg15[%swap3A_58], %swap3A_61 {strides = array<i32>} : memref<16xi32, #tpu.memory_space<vmem>>, vector<16xi32>,
    %add3A_62 = arith.constant 1 : i32
    %add3A_63 = arith.addi %mul3A_2, %add3A_62 : i32
    %add3A_64 = arith.constant 80 : i32
    %add3A_65 = arith.addi %add3A_63, %add3A_64 : i32
    %add3A_66 = arith.constant 0 : i32
    %add3A_67 = arith.addi %add3A_65, %add3A_66 : i32
    %add3A_68 = vector.broadcast %add3A_67 : i32 to vector<16xi32>
    %add3A_69 = arith.addi %iota3A, %add3A_68 : vector<16xi32>
    %swap3A_70 = arith.constant 0 : index
    %swap3A_71 = tpu.vector_load %arg16[%swap3A_70] {strides = array<i32>} : memref<16xi32, #tpu.memory_space<vmem>>, vector<16xi32>,
    %swap3A_72 = vector.shape_cast %swap3A_71 : vector<16xi32> to vector<16xi32>
    %swap3A_73 = vector.shape_cast %add3A_69 : vector<16xi32> to vector<16xi32>
    tpu.vector_store %arg16[%swap3A_70], %swap3A_73 {strides = array<i32>} : memref<16xi32, #tpu.memory_space<vmem>>, vector<16xi32>,
    %add3A_74 = arith.constant 1 : i32
    %add3A_75 = arith.addi %mul3A_2, %add3A_74 : i32
    %add3A_76 = arith.constant 96 : i32
    %add3A_77 = arith.addi %add3A_75, %add3A_76 : i32
    %add3A_78 = arith.constant 0 : i32
    %add3A_79 = arith.addi %add3A_77, %add3A_78 : i32
    %add3A_80 = vector.broadcast %add3A_79 : i32 to vector<16xi32>
    %add3A_81 = arith.addi %iota3A, %add3A_80 : vector<16xi32>
    %swap3A_82 = arith.constant 0 : index
    %swap3A_83 = tpu.vector_load %arg17[%swap3A_82] {strides = array<i32>} : memref<16xi32, #tpu.memory_space<vmem>>, vector<16xi32>,
    %swap3A_84 = vector.shape_cast %swap3A_83 : vector<16xi32> to vector<16xi32>
    %swap3A_85 = vector.shape_cast %add3A_81 : vector<16xi32> to vector<16xi32>
    tpu.vector_store %arg17[%swap3A_82], %swap3A_85 {strides = array<i32>} : memref<16xi32, #tpu.memory_space<vmem>>, vector<16xi32>,
    %add3A_86 = arith.constant 1 : i32
    %add3A_87 = arith.addi %mul3A_2, %add3A_86 : i32
    %add3A_88 = arith.constant 112 : i32
    %add3A_89 = arith.addi %add3A_87, %add3A_88 : i32
    %add3A_90 = arith.constant 0 : i32
    %add3A_91 = arith.addi %add3A_89, %add3A_90 : i32
    %add3A_92 = vector.broadcast %add3A_91 : i32 to vector<16xi32>
    %add3A_93 = arith.addi %iota3A, %add3A_92 : vector<16xi32>
    %swap3A_94 = arith.constant 0 : index
    %swap3A_95 = tpu.vector_load %arg18[%swap3A_94] {strides = array<i32>} : memref<16xi32, #tpu.memory_space<vmem>>, vector<16xi32>,
    %swap3A_96 = vector.shape_cast %swap3A_95 : vector<16xi32> to vector<16xi32>
    %swap3A_97 = vector.shape_cast %add3A_93 : vector<16xi32> to vector<16xi32>
    tpu.vector_store %arg18[%swap3A_94], %swap3A_97 {strides = array<i32>} : memref<16xi32, #tpu.memory_space<vmem>>, vector<16xi32>,
    %add3A_98 = arith.constant 1 : i32
    %add3A_99 = arith.addi %mul3A_2, %add3A_98 : i32
    %add3A_100 = arith.constant 128 : i32
    %add3A_101 = arith.addi %add3A_99, %add3A_100 : i32
    %add3A_102 = arith.constant 0 : i32
    %add3A_103 = arith.addi %add3A_101, %add3A_102 : i32
    %add3A_104 = vector.broadcast %add3A_103 : i32 to vector<16xi32>
    %add3A_105 = arith.addi %iota3A, %add3A_104 : vector<16xi32>
    %swap3A_106 = arith.constant 0 : index
    %swap3A_107 = tpu.vector_load %arg19[%swap3A_106] {strides = array<i32>} : memref<16xi32, #tpu.memory_space<vmem>>, vector<16xi32>,
    %swap3A_108 = vector.shape_cast %swap3A_107 : vector<16xi32> to vector<16xi32>
    %swap3A_109 = vector.shape_cast %add3A_105 : vector<16xi32> to vector<16xi32>
    tpu.vector_store %arg19[%swap3A_106], %swap3A_109 {strides = array<i32>} : memref<16xi32, #tpu.memory_space<vmem>>, vector<16xi32>,
    %add3A_110 = arith.constant 1 : i32
    %add3A_111 = arith.addi %mul3A_2, %add3A_110 : i32
    %add3A_112 = arith.constant 144 : i32
    %add3A_113 = arith.addi %add3A_111, %add3A_112 : i32
    %add3A_114 = arith.constant 0 : i32
    %add3A_115 = arith.addi %add3A_113, %add3A_114 : i32
    %add3A_116 = vector.broadcast %add3A_115 : i32 to vector<16xi32>
    %add3A_117 = arith.addi %iota3A, %add3A_116 : vector<16xi32>
    %swap3A_118 = arith.constant 0 : index
    %swap3A_119 = tpu.vector_load %arg20[%swap3A_118] {strides = array<i32>} : memref<16xi32, #tpu.memory_space<vmem>>, vector<16xi32>,
    %swap3A_120 = vector.shape_cast %swap3A_119 : vector<16xi32> to vector<16xi32>
    %swap3A_121 = vector.shape_cast %add3A_117 : vector<16xi32> to vector<16xi32>
    tpu.vector_store %arg20[%swap3A_118], %swap3A_121 {strides = array<i32>} : memref<16xi32, #tpu.memory_space<vmem>>, vector<16xi32>,
    %add3A_122 = arith.constant 1 : i32
    %add3A_123 = arith.addi %mul3A_2, %add3A_122 : i32
    %add3A_124 = arith.constant 160 : i32
    %add3A_125 = arith.addi %add3A_123, %add3A_124 : i32
    %add3A_126 = arith.constant 0 : i32
    %add3A_127 = arith.addi %add3A_125, %add3A_126 : i32
    %add3A_128 = vector.broadcast %add3A_127 : i32 to vector<16xi32>
    %add3A_129 = arith.addi %iota3A, %add3A_128 : vector<16xi32>
    %swap3A_130 = arith.constant 0 : index
    %swap3A_131 = tpu.vector_load %arg21[%swap3A_130] {strides = array<i32>} : memref<16xi32, #tpu.memory_space<vmem>>, vector<16xi32>,
    %swap3A_132 = vector.shape_cast %swap3A_131 : vector<16xi32> to vector<16xi32>
    %swap3A_133 = vector.shape_cast %add3A_129 : vector<16xi32> to vector<16xi32>
    tpu.vector_store %arg21[%swap3A_130], %swap3A_133 {strides = array<i32>} : memref<16xi32, #tpu.memory_space<vmem>>, vector<16xi32>,
    %add3A_134 = arith.constant 1 : i32
    %add3A_135 = arith.addi %mul3A_2, %add3A_134 : i32
    %add3A_136 = arith.constant 176 : i32
    %add3A_137 = arith.addi %add3A_135, %add3A_136 : i32
    %add3A_138 = arith.constant 0 : i32
    %add3A_139 = arith.addi %add3A_137, %add3A_138 : i32
    %add3A_140 = vector.broadcast %add3A_139 : i32 to vector<16xi32>
    %add3A_141 = arith.addi %iota3A, %add3A_140 : vector<16xi32>
    %swap3A_142 = arith.constant 0 : index
    %swap3A_143 = tpu.vector_load %arg22[%swap3A_142] {strides = array<i32>} : memref<16xi32, #tpu.memory_space<vmem>>, vector<16xi32>,
    %swap3A_144 = vector.shape_cast %swap3A_143 : vector<16xi32> to vector<16xi32>
    %swap3A_145 = vector.shape_cast %add3A_141 : vector<16xi32> to vector<16xi32>
    tpu.vector_store %arg22[%swap3A_142], %swap3A_145 {strides = array<i32>} : memref<16xi32, #tpu.memory_space<vmem>>, vector<16xi32>,
    %add3A_146 = arith.constant 1 : i32
    %add3A_147 = arith.addi %mul3A_2, %add3A_146 : i32
    %add3A_148 = arith.constant 192 : i32
    %add3A_149 = arith.addi %add3A_147, %add3A_148 : i32
    %add3A_150 = arith.constant 0 : i32
    %add3A_151 = arith.addi %add3A_149, %add3A_150 : i32
    %add3A_152 = vector.broadcast %add3A_151 : i32 to vector<16xi32>
    %add3A_153 = arith.addi %iota3A, %add3A_152 : vector<16xi32>
    %swap3A_154 = arith.constant 0 : index
    %swap3A_155 = tpu.vector_load %arg23[%swap3A_154] {strides = array<i32>} : memref<16xi32, #tpu.memory_space<vmem>>, vector<16xi32>,
    %swap3A_156 = vector.shape_cast %swap3A_155 : vector<16xi32> to vector<16xi32>
    %swap3A_157 = vector.shape_cast %add3A_153 : vector<16xi32> to vector<16xi32>
    tpu.vector_store %arg23[%swap3A_154], %swap3A_157 {strides = array<i32>} : memref<16xi32, #tpu.memory_space<vmem>>, vector<16xi32>,
    %add3A_158 = arith.constant 1 : i32
    %add3A_159 = arith.addi %mul3A_2, %add3A_158 : i32
    %add3A_160 = arith.constant 208 : i32
    %add3A_161 = arith.addi %add3A_159, %add3A_160 : i32
    %add3A_162 = arith.constant 0 : i32
    %add3A_163 = arith.addi %add3A_161, %add3A_162 : i32
    %add3A_164 = vector.broadcast %add3A_163 : i32 to vector<16xi32>
    %add3A_165 = arith.addi %iota3A, %add3A_164 : vector<16xi32>
    %swap3A_166 = arith.constant 0 : index
    %swap3A_167 = tpu.vector_load %arg24[%swap3A_166] {strides = array<i32>} : memref<16xi32, #tpu.memory_space<vmem>>, vector<16xi32>,
    %swap3A_168 = vector.shape_cast %swap3A_167 : vector<16xi32> to vector<16xi32>
    %swap3A_169 = vector.shape_cast %add3A_165 : vector<16xi32> to vector<16xi32>
    tpu.vector_store %arg24[%swap3A_166], %swap3A_169 {strides = array<i32>} : memref<16xi32, #tpu.memory_space<vmem>>, vector<16xi32>,
    %add3A_170 = arith.constant 1 : i32
    %add3A_171 = arith.addi %mul3A_2, %add3A_170 : i32
    %add3A_172 = arith.constant 224 : i32
    %add3A_173 = arith.addi %add3A_171, %add3A_172 : i32
    %add3A_174 = arith.constant 0 : i32
    %add3A_175 = arith.addi %add3A_173, %add3A_174 : i32
    %add3A_176 = vector.broadcast %add3A_175 : i32 to vector<16xi32>
    %add3A_177 = arith.addi %iota3A, %add3A_176 : vector<16xi32>
    %swap3A_178 = arith.constant 0 : index
    %swap3A_179 = tpu.vector_load %arg25[%swap3A_178] {strides = array<i32>} : memref<16xi32, #tpu.memory_space<vmem>>, vector<16xi32>,
    %swap3A_180 = vector.shape_cast %swap3A_179 : vector<16xi32> to vector<16xi32>
    %swap3A_181 = vector.shape_cast %add3A_177 : vector<16xi32> to vector<16xi32>
    tpu.vector_store %arg25[%swap3A_178], %swap3A_181 {strides = array<i32>} : memref<16xi32, #tpu.memory_space<vmem>>, vector<16xi32>,
    %add3A_182 = arith.constant 1 : i32
    %add3A_183 = arith.addi %mul3A_2, %add3A_182 : i32
    %add3A_184 = arith.constant 240 : i32
    %add3A_185 = arith.addi %add3A_183, %add3A_184 : i32
    %add3A_186 = arith.constant 0 : i32
    %add3A_187 = arith.addi %add3A_185, %add3A_186 : i32
    %add3A_188 = vector.broadcast %add3A_187 : i32 to vector<16xi32>
    %add3A_189 = arith.addi %iota3A, %add3A_188 : vector<16xi32>
    %swap3A_190 = arith.constant 0 : index
    %swap3A_191 = tpu.vector_load %arg26[%swap3A_190] {strides = array<i32>} : memref<16xi32, #tpu.memory_space<vmem>>, vector<16xi32>,
    %swap3A_192 = vector.shape_cast %swap3A_191 : vector<16xi32> to vector<16xi32>
    %swap3A_193 = vector.shape_cast %add3A_189 : vector<16xi32> to vector<16xi32>
    tpu.vector_store %arg26[%swap3A_190], %swap3A_193 {strides = array<i32>} : memref<16xi32, #tpu.memory_space<vmem>>, vector<16xi32>,
    %dma_start3A = arith.constant 0 : i32
    %dma_start3A_194 = arith.constant 0 : i32
    %dma_start3A_195 = tpu.memref_slice %arg2[%dma_start3A, %dma_start3A_194] : memref<8193x1024xf32, #tpu.memory_space<hbm>> -> memref<8193x1024xf32, #tpu.memory_space<hbm>>
    tpu.enqueue_indirect_dma source(%dma_start3A_195 : memref<8193x1024xf32, #tpu.memory_space<hbm>>) target(%arg4 : memref<16x1024xf32, #tpu.memory_space<vmem>>) offsets(%arg11 : memref<16xi32, #tpu.memory_space<vmem>>) semaphore(%arg27 : memref<!tpu.dma_semaphore, #tpu.memory_space<semaphore_mem>>)
    %dma_start3A_196 = arith.constant 0 : i32
    %dma_start3A_197 = arith.constant 0 : i32
    %dma_start3A_198 = tpu.memref_slice %arg2[%dma_start3A_196, %dma_start3A_197] : memref<8193x1024xf32, #tpu.memory_space<hbm>> -> memref<8193x1024xf32, #tpu.memory_space<hbm>>
    tpu.enqueue_indirect_dma source(%dma_start3A_198 : memref<8193x1024xf32, #tpu.memory_space<hbm>>) target(%arg5 : memref<16x1024xf32, #tpu.memory_space<vmem>>) offsets(%arg12 : memref<16xi32, #tpu.memory_space<vmem>>) semaphore(%arg28 : memref<!tpu.dma_semaphore, #tpu.memory_space<semaphore_mem>>)
    %dma_start3A_199 = arith.constant 0 : i32
    %dma_start3A_200 = arith.constant 0 : i32
    %dma_start3A_201 = tpu.memref_slice %arg2[%dma_start3A_199, %dma_start3A_200] : memref<8193x1024xf32, #tpu.memory_space<hbm>> -> memref<8193x1024xf32, #tpu.memory_space<hbm>>
    tpu.enqueue_indirect_dma source(%dma_start3A_201 : memref<8193x1024xf32, #tpu.memory_space<hbm>>) target(%arg6 : memref<16x1024xf32, #tpu.memory_space<vmem>>) offsets(%arg13 : memref<16xi32, #tpu.memory_space<vmem>>) semaphore(%arg29 : memref<!tpu.dma_semaphore, #tpu.memory_space<semaphore_mem>>)
    %dma_start3A_202 = arith.constant 0 : i32
    %dma_start3A_203 = arith.constant 0 : i32
    %dma_start3A_204 = tpu.memref_slice %arg2[%dma_start3A_202, %dma_start3A_203] : memref<8193x1024xf32, #tpu.memory_space<hbm>> -> memref<8193x1024xf32, #tpu.memory_space<hbm>>
    tpu.enqueue_indirect_dma source(%dma_start3A_204 : memref<8193x1024xf32, #tpu.memory_space<hbm>>) target(%arg7 : memref<16x1024xf32, #tpu.memory_space<vmem>>) offsets(%arg14 : memref<16xi32, #tpu.memory_space<vmem>>) semaphore(%arg30 : memref<!tpu.dma_semaphore, #tpu.memory_space<semaphore_mem>>)
    %dma_start3A_205 = arith.constant 0 : i32
    %dma_start3A_206 = arith.constant 0 : i32
    %dma_start3A_207 = tpu.memref_slice %arg2[%dma_start3A_205, %dma_start3A_206] : memref<8193x1024xf32, #tpu.memory_space<hbm>> -> memref<8193x1024xf32, #tpu.memory_space<hbm>>
    tpu.enqueue_indirect_dma source(%dma_start3A_207 : memref<8193x1024xf32, #tpu.memory_space<hbm>>) target(%arg8 : memref<16x1024xf32, #tpu.memory_space<vmem>>) offsets(%arg15 : memref<16xi32, #tpu.memory_space<vmem>>) semaphore(%arg31 : memref<!tpu.dma_semaphore, #tpu.memory_space<semaphore_mem>>)
    %dma_wait3A = arith.constant 0 : i32
    %dma_wait3A_208 = arith.constant 0 : i32
    %dma_wait3A_209 = tpu.memref_slice %arg2[%dma_wait3A, %dma_wait3A_208] : memref<8193x1024xf32, #tpu.memory_space<hbm>> -> memref<8193x1024xf32, #tpu.memory_space<hbm>>
    tpu.wait_indirect_dma semaphore(%arg27 : memref<!tpu.dma_semaphore, #tpu.memory_space<semaphore_mem>>) src(%dma_wait3A_209 : memref<8193x1024xf32, #tpu.memory_space<hbm>>) dst(%arg4 : memref<16x1024xf32, #tpu.memory_space<vmem>>)
    %add3A_210 = arith.constant 0 : i32
    %add3A_211 = arith.addi %mul3A_2, %add3A_210 : i32
    %dma_start3A_212 = arith.constant 0 : i32
    %dma_start3A_213 = tpu.memref_slice %arg3[%add3A_211, %dma_start3A_212] : memref<8192x1024xf32, #tpu.memory_space<hbm>> -> memref<16x1024xf32, #tpu.memory_space<hbm>>
    %dma_start3A_214 = arith.constant 0 : i32
    %dma_start3A_215 = tpu.memref_slice %arg3[%add3A_211, %dma_start3A_214] : memref<8192x1024xf32, #tpu.memory_space<hbm>> -> memref<16x1024xf32, #tpu.memory_space<hbm>>
    tpu.enqueue_dma source(%arg4 : memref<16x1024xf32, #tpu.memory_space<vmem>>) target(%dma_start3A_215 : memref<16x1024xf32, #tpu.memory_space<hbm>>) target_semaphore(%arg34 : memref<!tpu.dma_semaphore, #tpu.memory_space<semaphore_mem>>)
    %dma_start3A_216 = arith.constant 0 : i32
    %dma_start3A_217 = arith.constant 0 : i32
    %dma_start3A_218 = tpu.memref_slice %arg2[%dma_start3A_216, %dma_start3A_217] : memref<8193x1024xf32, #tpu.memory_space<hbm>> -> memref<8193x1024xf32, #tpu.memory_space<hbm>>
    tpu.enqueue_indirect_dma source(%dma_start3A_218 : memref<8193x1024xf32, #tpu.memory_space<hbm>>) target(%arg9 : memref<16x1024xf32, #tpu.memory_space<vmem>>) offsets(%arg16 : memref<16xi32, #tpu.memory_space<vmem>>) semaphore(%arg32 : memref<!tpu.dma_semaphore, #tpu.memory_space<semaphore_mem>>)
    %dma_wait3A_219 = arith.constant 0 : i32
    %dma_wait3A_220 = arith.constant 0 : i32
    %dma_wait3A_221 = tpu.memref_slice %arg2[%dma_wait3A_219, %dma_wait3A_220] : memref<8193x1024xf32, #tpu.memory_space<hbm>> -> memref<8193x1024xf32, #tpu.memory_space<hbm>>
    tpu.wait_indirect_dma semaphore(%arg28 : memref<!tpu.dma_semaphore, #tpu.memory_space<semaphore_mem>>) src(%dma_wait3A_221 : memref<8193x1024xf32, #tpu.memory_space<hbm>>) dst(%arg5 : memref<16x1024xf32, #tpu.memory_space<vmem>>)
    %add3A_222 = arith.constant 16 : i32
    %add3A_223 = arith.addi %mul3A_2, %add3A_222 : i32
    %dma_start3A_224 = arith.constant 0 : i32
    %dma_start3A_225 = tpu.memref_slice %arg3[%add3A_223, %dma_start3A_224] : memref<8192x1024xf32, #tpu.memory_space<hbm>> -> memref<16x1024xf32, #tpu.memory_space<hbm>>
    %dma_start3A_226 = arith.constant 0 : i32
    %dma_start3A_227 = tpu.memref_slice %arg3[%add3A_223, %dma_start3A_226] : memref<8192x1024xf32, #tpu.memory_space<hbm>> -> memref<16x1024xf32, #tpu.memory_space<hbm>>
    tpu.enqueue_dma source(%arg5 : memref<16x1024xf32, #tpu.memory_space<vmem>>) target(%dma_start3A_227 : memref<16x1024xf32, #tpu.memory_space<hbm>>) target_semaphore(%arg35 : memref<!tpu.dma_semaphore, #tpu.memory_space<semaphore_mem>>)
    %dma_start3A_228 = arith.constant 0 : i32
    %dma_start3A_229 = arith.constant 0 : i32
    %dma_start3A_230 = tpu.memref_slice %arg2[%dma_start3A_228, %dma_start3A_229] : memref<8193x1024xf32, #tpu.memory_space<hbm>> -> memref<8193x1024xf32, #tpu.memory_space<hbm>>
    tpu.enqueue_indirect_dma source(%dma_start3A_230 : memref<8193x1024xf32, #tpu.memory_space<hbm>>) target(%arg10 : memref<16x1024xf32, #tpu.memory_space<vmem>>) offsets(%arg17 : memref<16xi32, #tpu.memory_space<vmem>>) semaphore(%arg33 : memref<!tpu.dma_semaphore, #tpu.memory_space<semaphore_mem>>)
    %dma_wait3A_231 = arith.constant 0 : i32
    %dma_wait3A_232 = arith.constant 0 : i32
    %dma_wait3A_233 = tpu.memref_slice %arg2[%dma_wait3A_231, %dma_wait3A_232] : memref<8193x1024xf32, #tpu.memory_space<hbm>> -> memref<8193x1024xf32, #tpu.memory_space<hbm>>
    tpu.wait_indirect_dma semaphore(%arg29 : memref<!tpu.dma_semaphore, #tpu.memory_space<semaphore_mem>>) src(%dma_wait3A_233 : memref<8193x1024xf32, #tpu.memory_space<hbm>>) dst(%arg6 : memref<16x1024xf32, #tpu.memory_space<vmem>>)
    %add3A_234 = arith.constant 32 : i32
    %add3A_235 = arith.addi %mul3A_2, %add3A_234 : i32
    %dma_start3A_236 = arith.constant 0 : i32
    %dma_start3A_237 = tpu.memref_slice %arg3[%add3A_235, %dma_start3A_236] : memref<8192x1024xf32, #tpu.memory_space<hbm>> -> memref<16x1024xf32, #tpu.memory_space<hbm>>
    %dma_start3A_238 = arith.constant 0 : i32
    %dma_start3A_239 = tpu.memref_slice %arg3[%add3A_235, %dma_start3A_238] : memref<8192x1024xf32, #tpu.memory_space<hbm>> -> memref<16x1024xf32, #tpu.memory_space<hbm>>
    tpu.enqueue_dma source(%arg6 : memref<16x1024xf32, #tpu.memory_space<vmem>>) target(%dma_start3A_239 : memref<16x1024xf32, #tpu.memory_space<hbm>>) target_semaphore(%arg36 : memref<!tpu.dma_semaphore, #tpu.memory_space<semaphore_mem>>)
    %dma_wait3A_240 = arith.constant 0 : i32
    %dma_wait3A_241 = tpu.memref_slice %arg3[%add3A_211, %dma_wait3A_240] : memref<8192x1024xf32, #tpu.memory_space<hbm>> -> memref<16x1024xf32, #tpu.memory_space<hbm>>
    %dma_wait3A_242 = arith.constant 0 : i32
    %dma_wait3A_243 = tpu.memref_slice %arg3[%add3A_211, %dma_wait3A_242] : memref<8192x1024xf32, #tpu.memory_space<hbm>> -> memref<16x1024xf32, #tpu.memory_space<hbm>>
    tpu.wait_dma2 semaphore(%arg34 : memref<!tpu.dma_semaphore, #tpu.memory_space<semaphore_mem>>) src(%arg4 : memref<16x1024xf32, #tpu.memory_space<vmem>>) dst(%dma_wait3A_243 : memref<16x1024xf32, #tpu.memory_space<hbm>>)
    %dma_start3A_244 = arith.constant 0 : i32
    %dma_start3A_245 = arith.constant 0 : i32
    %dma_start3A_246 = tpu.memref_slice %arg2[%dma_start3A_244, %dma_start3A_245] : memref<8193x1024xf32, #tpu.memory_space<hbm>> -> memref<8193x1024xf32, #tpu.memory_space<hbm>>
    tpu.enqueue_indirect_dma source(%dma_start3A_246 : memref<8193x1024xf32, #tpu.memory_space<hbm>>) target(%arg4 : memref<16x1024xf32, #tpu.memory_space<vmem>>) offsets(%arg18 : memref<16xi32, #tpu.memory_space<vmem>>) semaphore(%arg27 : memref<!tpu.dma_semaphore, #tpu.memory_space<semaphore_mem>>)
    %dma_wait3A_247 = arith.constant 0 : i32
    %dma_wait3A_248 = arith.constant 0 : i32
    %dma_wait3A_249 = tpu.memref_slice %arg2[%dma_wait3A_247, %dma_wait3A_248] : memref<8193x1024xf32, #tpu.memory_space<hbm>> -> memref<8193x1024xf32, #tpu.memory_space<hbm>>
    tpu.wait_indirect_dma semaphore(%arg30 : memref<!tpu.dma_semaphore, #tpu.memory_space<semaphore_mem>>) src(%dma_wait3A_249 : memref<8193x1024xf32, #tpu.memory_space<hbm>>) dst(%arg7 : memref<16x1024xf32, #tpu.memory_space<vmem>>)
    %add3A_250 = arith.constant 48 : i32
    %add3A_251 = arith.addi %mul3A_2, %add3A_250 : i32
    %dma_start3A_252 = arith.constant 0 : i32
    %dma_start3A_253 = tpu.memref_slice %arg3[%add3A_251, %dma_start3A_252] : memref<8192x1024xf32, #tpu.memory_space<hbm>> -> memref<16x1024xf32, #tpu.memory_space<hbm>>
    %dma_start3A_254 = arith.constant 0 : i32
    %dma_start3A_255 = tpu.memref_slice %arg3[%add3A_251, %dma_start3A_254] : memref<8192x1024xf32, #tpu.memory_space<hbm>> -> memref<16x1024xf32, #tpu.memory_space<hbm>>
    tpu.enqueue_dma source(%arg7 : memref<16x1024xf32, #tpu.memory_space<vmem>>) target(%dma_start3A_255 : memref<16x1024xf32, #tpu.memory_space<hbm>>) target_semaphore(%arg37 : memref<!tpu.dma_semaphore, #tpu.memory_space<semaphore_mem>>)
    %dma_wait3A_256 = arith.constant 0 : i32
    %dma_wait3A_257 = tpu.memref_slice %arg3[%add3A_223, %dma_wait3A_256] : memref<8192x1024xf32, #tpu.memory_space<hbm>> -> memref<16x1024xf32, #tpu.memory_space<hbm>>
    %dma_wait3A_258 = arith.constant 0 : i32
    %dma_wait3A_259 = tpu.memref_slice %arg3[%add3A_223, %dma_wait3A_258] : memref<8192x1024xf32, #tpu.memory_space<hbm>> -> memref<16x1024xf32, #tpu.memory_space<hbm>>
    tpu.wait_dma2 semaphore(%arg35 : memref<!tpu.dma_semaphore, #tpu.memory_space<semaphore_mem>>) src(%arg5 : memref<16x1024xf32, #tpu.memory_space<vmem>>) dst(%dma_wait3A_259 : memref<16x1024xf32, #tpu.memory_space<hbm>>)
    %dma_start3A_260 = arith.constant 0 : i32
    %dma_start3A_261 = arith.constant 0 : i32
    %dma_start3A_262 = tpu.memref_slice %arg2[%dma_start3A_260, %dma_start3A_261] : memref<8193x1024xf32, #tpu.memory_space<hbm>> -> memref<8193x1024xf32, #tpu.memory_space<hbm>>
    tpu.enqueue_indirect_dma source(%dma_start3A_262 : memref<8193x1024xf32, #tpu.memory_space<hbm>>) target(%arg5 : memref<16x1024xf32, #tpu.memory_space<vmem>>) offsets(%arg19 : memref<16xi32, #tpu.memory_space<vmem>>) semaphore(%arg28 : memref<!tpu.dma_semaphore, #tpu.memory_space<semaphore_mem>>)
    %dma_wait3A_263 = arith.constant 0 : i32
    %dma_wait3A_264 = arith.constant 0 : i32
    %dma_wait3A_265 = tpu.memref_slice %arg2[%dma_wait3A_263, %dma_wait3A_264] : memref<8193x1024xf32, #tpu.memory_space<hbm>> -> memref<8193x1024xf32, #tpu.memory_space<hbm>>
    tpu.wait_indirect_dma semaphore(%arg31 : memref<!tpu.dma_semaphore, #tpu.memory_space<semaphore_mem>>) src(%dma_wait3A_265 : memref<8193x1024xf32, #tpu.memory_space<hbm>>) dst(%arg8 : memref<16x1024xf32, #tpu.memory_space<vmem>>)
    %add3A_266 = arith.constant 64 : i32
    %add3A_267 = arith.addi %mul3A_2, %add3A_266 : i32
    %dma_start3A_268 = arith.constant 0 : i32
    %dma_start3A_269 = tpu.memref_slice %arg3[%add3A_267, %dma_start3A_268] : memref<8192x1024xf32, #tpu.memory_space<hbm>> -> memref<16x1024xf32, #tpu.memory_space<hbm>>
    %dma_start3A_270 = arith.constant 0 : i32
    %dma_start3A_271 = tpu.memref_slice %arg3[%add3A_267, %dma_start3A_270] : memref<8192x1024xf32, #tpu.memory_space<hbm>> -> memref<16x1024xf32, #tpu.memory_space<hbm>>
    tpu.enqueue_dma source(%arg8 : memref<16x1024xf32, #tpu.memory_space<vmem>>) target(%dma_start3A_271 : memref<16x1024xf32, #tpu.memory_space<hbm>>) target_semaphore(%arg38 : memref<!tpu.dma_semaphore, #tpu.memory_space<semaphore_mem>>)
    %dma_wait3A_272 = arith.constant 0 : i32
    %dma_wait3A_273 = tpu.memref_slice %arg3[%add3A_235, %dma_wait3A_272] : memref<8192x1024xf32, #tpu.memory_space<hbm>> -> memref<16x1024xf32, #tpu.memory_space<hbm>>
    %dma_wait3A_274 = arith.constant 0 : i32
    %dma_wait3A_275 = tpu.memref_slice %arg3[%add3A_235, %dma_wait3A_274] : memref<8192x1024xf32, #tpu.memory_space<hbm>> -> memref<16x1024xf32, #tpu.memory_space<hbm>>
    tpu.wait_dma2 semaphore(%arg36 : memref<!tpu.dma_semaphore, #tpu.memory_space<semaphore_mem>>) src(%arg6 : memref<16x1024xf32, #tpu.memory_space<vmem>>) dst(%dma_wait3A_275 : memref<16x1024xf32, #tpu.memory_space<hbm>>)
    %dma_start3A_276 = arith.constant 0 : i32
    %dma_start3A_277 = arith.constant 0 : i32
    %dma_start3A_278 = tpu.memref_slice %arg2[%dma_start3A_276, %dma_start3A_277] : memref<8193x1024xf32, #tpu.memory_space<hbm>> -> memref<8193x1024xf32, #tpu.memory_space<hbm>>
    tpu.enqueue_indirect_dma source(%dma_start3A_278 : memref<8193x1024xf32, #tpu.memory_space<hbm>>) target(%arg6 : memref<16x1024xf32, #tpu.memory_space<vmem>>) offsets(%arg20 : memref<16xi32, #tpu.memory_space<vmem>>) semaphore(%arg29 : memref<!tpu.dma_semaphore, #tpu.memory_space<semaphore_mem>>)
    %dma_wait3A_279 = arith.constant 0 : i32
    %dma_wait3A_280 = arith.constant 0 : i32
    %dma_wait3A_281 = tpu.memref_slice %arg2[%dma_wait3A_279, %dma_wait3A_280] : memref<8193x1024xf32, #tpu.memory_space<hbm>> -> memref<8193x1024xf32, #tpu.memory_space<hbm>>
    tpu.wait_indirect_dma semaphore(%arg32 : memref<!tpu.dma_semaphore, #tpu.memory_space<semaphore_mem>>) src(%dma_wait3A_281 : memref<8193x1024xf32, #tpu.memory_space<hbm>>) dst(%arg9 : memref<16x1024xf32, #tpu.memory_space<vmem>>)
    %add3A_282 = arith.constant 80 : i32
    %add3A_283 = arith.addi %mul3A_2, %add3A_282 : i32
    %dma_start3A_284 = arith.constant 0 : i32
    %dma_start3A_285 = tpu.memref_slice %arg3[%add3A_283, %dma_start3A_284] : memref<8192x1024xf32, #tpu.memory_space<hbm>> -> memref<16x1024xf32, #tpu.memory_space<hbm>>
    %dma_start3A_286 = arith.constant 0 : i32
    %dma_start3A_287 = tpu.memref_slice %arg3[%add3A_283, %dma_start3A_286] : memref<8192x1024xf32, #tpu.memory_space<hbm>> -> memref<16x1024xf32, #tpu.memory_space<hbm>>
    tpu.enqueue_dma source(%arg9 : memref<16x1024xf32, #tpu.memory_space<vmem>>) target(%dma_start3A_287 : memref<16x1024xf32, #tpu.memory_space<hbm>>) target_semaphore(%arg39 : memref<!tpu.dma_semaphore, #tpu.memory_space<semaphore_mem>>)
    %dma_wait3A_288 = arith.constant 0 : i32
    %dma_wait3A_289 = tpu.memref_slice %arg3[%add3A_251, %dma_wait3A_288] : memref<8192x1024xf32, #tpu.memory_space<hbm>> -> memref<16x1024xf32, #tpu.memory_space<hbm>>
    %dma_wait3A_290 = arith.constant 0 : i32
    %dma_wait3A_291 = tpu.memref_slice %arg3[%add3A_251, %dma_wait3A_290] : memref<8192x1024xf32, #tpu.memory_space<hbm>> -> memref<16x1024xf32, #tpu.memory_space<hbm>>
    tpu.wait_dma2 semaphore(%arg37 : memref<!tpu.dma_semaphore, #tpu.memory_space<semaphore_mem>>) src(%arg7 : memref<16x1024xf32, #tpu.memory_space<vmem>>) dst(%dma_wait3A_291 : memref<16x1024xf32, #tpu.memory_space<hbm>>)
    %dma_start3A_292 = arith.constant 0 : i32
    %dma_start3A_293 = arith.constant 0 : i32
    %dma_start3A_294 = tpu.memref_slice %arg2[%dma_start3A_292, %dma_start3A_293] : memref<8193x1024xf32, #tpu.memory_space<hbm>> -> memref<8193x1024xf32, #tpu.memory_space<hbm>>
    tpu.enqueue_indirect_dma source(%dma_start3A_294 : memref<8193x1024xf32, #tpu.memory_space<hbm>>) target(%arg7 : memref<16x1024xf32, #tpu.memory_space<vmem>>) offsets(%arg21 : memref<16xi32, #tpu.memory_space<vmem>>) semaphore(%arg30 : memref<!tpu.dma_semaphore, #tpu.memory_space<semaphore_mem>>)
    %dma_wait3A_295 = arith.constant 0 : i32
    %dma_wait3A_296 = arith.constant 0 : i32
    %dma_wait3A_297 = tpu.memref_slice %arg2[%dma_wait3A_295, %dma_wait3A_296] : memref<8193x1024xf32, #tpu.memory_space<hbm>> -> memref<8193x1024xf32, #tpu.memory_space<hbm>>
    tpu.wait_indirect_dma semaphore(%arg33 : memref<!tpu.dma_semaphore, #tpu.memory_space<semaphore_mem>>) src(%dma_wait3A_297 : memref<8193x1024xf32, #tpu.memory_space<hbm>>) dst(%arg10 : memref<16x1024xf32, #tpu.memory_space<vmem>>)
    %add3A_298 = arith.constant 96 : i32
    %add3A_299 = arith.addi %mul3A_2, %add3A_298 : i32
    %dma_start3A_300 = arith.constant 0 : i32
    %dma_start3A_301 = tpu.memref_slice %arg3[%add3A_299, %dma_start3A_300] : memref<8192x1024xf32, #tpu.memory_space<hbm>> -> memref<16x1024xf32, #tpu.memory_space<hbm>>
    %dma_start3A_302 = arith.constant 0 : i32
    %dma_start3A_303 = tpu.memref_slice %arg3[%add3A_299, %dma_start3A_302] : memref<8192x1024xf32, #tpu.memory_space<hbm>> -> memref<16x1024xf32, #tpu.memory_space<hbm>>
    tpu.enqueue_dma source(%arg10 : memref<16x1024xf32, #tpu.memory_space<vmem>>) target(%dma_start3A_303 : memref<16x1024xf32, #tpu.memory_space<hbm>>) target_semaphore(%arg40 : memref<!tpu.dma_semaphore, #tpu.memory_space<semaphore_mem>>)
    %dma_wait3A_304 = arith.constant 0 : i32
    %dma_wait3A_305 = tpu.memref_slice %arg3[%add3A_267, %dma_wait3A_304] : memref<8192x1024xf32, #tpu.memory_space<hbm>> -> memref<16x1024xf32, #tpu.memory_space<hbm>>
    %dma_wait3A_306 = arith.constant 0 : i32
    %dma_wait3A_307 = tpu.memref_slice %arg3[%add3A_267, %dma_wait3A_306] : memref<8192x1024xf32, #tpu.memory_space<hbm>> -> memref<16x1024xf32, #tpu.memory_space<hbm>>
    tpu.wait_dma2 semaphore(%arg38 : memref<!tpu.dma_semaphore, #tpu.memory_space<semaphore_mem>>) src(%arg8 : memref<16x1024xf32, #tpu.memory_space<vmem>>) dst(%dma_wait3A_307 : memref<16x1024xf32, #tpu.memory_space<hbm>>)
    %dma_start3A_308 = arith.constant 0 : i32
    %dma_start3A_309 = arith.constant 0 : i32
    %dma_start3A_310 = tpu.memref_slice %arg2[%dma_start3A_308, %dma_start3A_309] : memref<8193x1024xf32, #tpu.memory_space<hbm>> -> memref<8193x1024xf32, #tpu.memory_space<hbm>>
    tpu.enqueue_indirect_dma source(%dma_start3A_310 : memref<8193x1024xf32, #tpu.memory_space<hbm>>) target(%arg8 : memref<16x1024xf32, #tpu.memory_space<vmem>>) offsets(%arg22 : memref<16xi32, #tpu.memory_space<vmem>>) semaphore(%arg31 : memref<!tpu.dma_semaphore, #tpu.memory_space<semaphore_mem>>)
    %dma_wait3A_311 = arith.constant 0 : i32
    %dma_wait3A_312 = arith.constant 0 : i32
    %dma_wait3A_313 = tpu.memref_slice %arg2[%dma_wait3A_311, %dma_wait3A_312] : memref<8193x1024xf32, #tpu.memory_space<hbm>> -> memref<8193x1024xf32, #tpu.memory_space<hbm>>
    tpu.wait_indirect_dma semaphore(%arg27 : memref<!tpu.dma_semaphore, #tpu.memory_space<semaphore_mem>>) src(%dma_wait3A_313 : memref<8193x1024xf32, #tpu.memory_space<hbm>>) dst(%arg4 : memref<16x1024xf32, #tpu.memory_space<vmem>>)
    %add3A_314 = arith.constant 112 : i32
    %add3A_315 = arith.addi %mul3A_2, %add3A_314 : i32
    %dma_start3A_316 = arith.constant 0 : i32
    %dma_start3A_317 = tpu.memref_slice %arg3[%add3A_315, %dma_start3A_316] : memref<8192x1024xf32, #tpu.memory_space<hbm>> -> memref<16x1024xf32, #tpu.memory_space<hbm>>
    %dma_start3A_318 = arith.constant 0 : i32
    %dma_start3A_319 = tpu.memref_slice %arg3[%add3A_315, %dma_start3A_318] : memref<8192x1024xf32, #tpu.memory_space<hbm>> -> memref<16x1024xf32, #tpu.memory_space<hbm>>
    tpu.enqueue_dma source(%arg4 : memref<16x1024xf32, #tpu.memory_space<vmem>>) target(%dma_start3A_319 : memref<16x1024xf32, #tpu.memory_space<hbm>>) target_semaphore(%arg34 : memref<!tpu.dma_semaphore, #tpu.memory_space<semaphore_mem>>)
    %dma_wait3A_320 = arith.constant 0 : i32
    %dma_wait3A_321 = tpu.memref_slice %arg3[%add3A_283, %dma_wait3A_320] : memref<8192x1024xf32, #tpu.memory_space<hbm>> -> memref<16x1024xf32, #tpu.memory_space<hbm>>
    %dma_wait3A_322 = arith.constant 0 : i32
    %dma_wait3A_323 = tpu.memref_slice %arg3[%add3A_283, %dma_wait3A_322] : memref<8192x1024xf32, #tpu.memory_space<hbm>> -> memref<16x1024xf32, #tpu.memory_space<hbm>>
    tpu.wait_dma2 semaphore(%arg39 : memref<!tpu.dma_semaphore, #tpu.memory_space<semaphore_mem>>) src(%arg9 : memref<16x1024xf32, #tpu.memory_space<vmem>>) dst(%dma_wait3A_323 : memref<16x1024xf32, #tpu.memory_space<hbm>>)
    %dma_start3A_324 = arith.constant 0 : i32
    %dma_start3A_325 = arith.constant 0 : i32
    %dma_start3A_326 = tpu.memref_slice %arg2[%dma_start3A_324, %dma_start3A_325] : memref<8193x1024xf32, #tpu.memory_space<hbm>> -> memref<8193x1024xf32, #tpu.memory_space<hbm>>
    tpu.enqueue_indirect_dma source(%dma_start3A_326 : memref<8193x1024xf32, #tpu.memory_space<hbm>>) target(%arg9 : memref<16x1024xf32, #tpu.memory_space<vmem>>) offsets(%arg23 : memref<16xi32, #tpu.memory_space<vmem>>) semaphore(%arg32 : memref<!tpu.dma_semaphore, #tpu.memory_space<semaphore_mem>>)
    %dma_wait3A_327 = arith.constant 0 : i32
    %dma_wait3A_328 = arith.constant 0 : i32
    %dma_wait3A_329 = tpu.memref_slice %arg2[%dma_wait3A_327, %dma_wait3A_328] : memref<8193x1024xf32, #tpu.memory_space<hbm>> -> memref<8193x1024xf32, #tpu.memory_space<hbm>>
    tpu.wait_indirect_dma semaphore(%arg28 : memref<!tpu.dma_semaphore, #tpu.memory_space<semaphore_mem>>) src(%dma_wait3A_329 : memref<8193x1024xf32, #tpu.memory_space<hbm>>) dst(%arg5 : memref<16x1024xf32, #tpu.memory_space<vmem>>)
    %add3A_330 = arith.constant 128 : i32
    %add3A_331 = arith.addi %mul3A_2, %add3A_330 : i32
    %dma_start3A_332 = arith.constant 0 : i32
    %dma_start3A_333 = tpu.memref_slice %arg3[%add3A_331, %dma_start3A_332] : memref<8192x1024xf32, #tpu.memory_space<hbm>> -> memref<16x1024xf32, #tpu.memory_space<hbm>>
    %dma_start3A_334 = arith.constant 0 : i32
    %dma_start3A_335 = tpu.memref_slice %arg3[%add3A_331, %dma_start3A_334] : memref<8192x1024xf32, #tpu.memory_space<hbm>> -> memref<16x1024xf32, #tpu.memory_space<hbm>>
    tpu.enqueue_dma source(%arg5 : memref<16x1024xf32, #tpu.memory_space<vmem>>) target(%dma_start3A_335 : memref<16x1024xf32, #tpu.memory_space<hbm>>) target_semaphore(%arg35 : memref<!tpu.dma_semaphore, #tpu.memory_space<semaphore_mem>>)
    %dma_wait3A_336 = arith.constant 0 : i32
    %dma_wait3A_337 = tpu.memref_slice %arg3[%add3A_299, %dma_wait3A_336] : memref<8192x1024xf32, #tpu.memory_space<hbm>> -> memref<16x1024xf32, #tpu.memory_space<hbm>>
    %dma_wait3A_338 = arith.constant 0 : i32
    %dma_wait3A_339 = tpu.memref_slice %arg3[%add3A_299, %dma_wait3A_338] : memref<8192x1024xf32, #tpu.memory_space<hbm>> -> memref<16x1024xf32, #tpu.memory_space<hbm>>
    tpu.wait_dma2 semaphore(%arg40 : memref<!tpu.dma_semaphore, #tpu.memory_space<semaphore_mem>>) src(%arg10 : memref<16x1024xf32, #tpu.memory_space<vmem>>) dst(%dma_wait3A_339 : memref<16x1024xf32, #tpu.memory_space<hbm>>)
    %dma_start3A_340 = arith.constant 0 : i32
    %dma_start3A_341 = arith.constant 0 : i32
    %dma_start3A_342 = tpu.memref_slice %arg2[%dma_start3A_340, %dma_start3A_341] : memref<8193x1024xf32, #tpu.memory_space<hbm>> -> memref<8193x1024xf32, #tpu.memory_space<hbm>>
    tpu.enqueue_indirect_dma source(%dma_start3A_342 : memref<8193x1024xf32, #tpu.memory_space<hbm>>) target(%arg10 : memref<16x1024xf32, #tpu.memory_space<vmem>>) offsets(%arg24 : memref<16xi32, #tpu.memory_space<vmem>>) semaphore(%arg33 : memref<!tpu.dma_semaphore, #tpu.memory_space<semaphore_mem>>)
    %dma_wait3A_343 = arith.constant 0 : i32
    %dma_wait3A_344 = arith.constant 0 : i32
    %dma_wait3A_345 = tpu.memref_slice %arg2[%dma_wait3A_343, %dma_wait3A_344] : memref<8193x1024xf32, #tpu.memory_space<hbm>> -> memref<8193x1024xf32, #tpu.memory_space<hbm>>
    tpu.wait_indirect_dma semaphore(%arg29 : memref<!tpu.dma_semaphore, #tpu.memory_space<semaphore_mem>>) src(%dma_wait3A_345 : memref<8193x1024xf32, #tpu.memory_space<hbm>>) dst(%arg6 : memref<16x1024xf32, #tpu.memory_space<vmem>>)
    %add3A_346 = arith.constant 144 : i32
    %add3A_347 = arith.addi %mul3A_2, %add3A_346 : i32
    %dma_start3A_348 = arith.constant 0 : i32
    %dma_start3A_349 = tpu.memref_slice %arg3[%add3A_347, %dma_start3A_348] : memref<8192x1024xf32, #tpu.memory_space<hbm>> -> memref<16x1024xf32, #tpu.memory_space<hbm>>
    %dma_start3A_350 = arith.constant 0 : i32
    %dma_start3A_351 = tpu.memref_slice %arg3[%add3A_347, %dma_start3A_350] : memref<8192x1024xf32, #tpu.memory_space<hbm>> -> memref<16x1024xf32, #tpu.memory_space<hbm>>
    tpu.enqueue_dma source(%arg6 : memref<16x1024xf32, #tpu.memory_space<vmem>>) target(%dma_start3A_351 : memref<16x1024xf32, #tpu.memory_space<hbm>>) target_semaphore(%arg36 : memref<!tpu.dma_semaphore, #tpu.memory_space<semaphore_mem>>)
    %dma_wait3A_352 = arith.constant 0 : i32
    %dma_wait3A_353 = tpu.memref_slice %arg3[%add3A_315, %dma_wait3A_352] : memref<8192x1024xf32, #tpu.memory_space<hbm>> -> memref<16x1024xf32, #tpu.memory_space<hbm>>
    %dma_wait3A_354 = arith.constant 0 : i32
    %dma_wait3A_355 = tpu.memref_slice %arg3[%add3A_315, %dma_wait3A_354] : memref<8192x1024xf32, #tpu.memory_space<hbm>> -> memref<16x1024xf32, #tpu.memory_space<hbm>>
    tpu.wait_dma2 semaphore(%arg34 : memref<!tpu.dma_semaphore, #tpu.memory_space<semaphore_mem>>) src(%arg4 : memref<16x1024xf32, #tpu.memory_space<vmem>>) dst(%dma_wait3A_355 : memref<16x1024xf32, #tpu.memory_space<hbm>>)
    %dma_start3A_356 = arith.constant 0 : i32
    %dma_start3A_357 = arith.constant 0 : i32
    %dma_start3A_358 = tpu.memref_slice %arg2[%dma_start3A_356, %dma_start3A_357] : memref<8193x1024xf32, #tpu.memory_space<hbm>> -> memref<8193x1024xf32, #tpu.memory_space<hbm>>
    tpu.enqueue_indirect_dma source(%dma_start3A_358 : memref<8193x1024xf32, #tpu.memory_space<hbm>>) target(%arg4 : memref<16x1024xf32, #tpu.memory_space<vmem>>) offsets(%arg25 : memref<16xi32, #tpu.memory_space<vmem>>) semaphore(%arg27 : memref<!tpu.dma_semaphore, #tpu.memory_space<semaphore_mem>>)
    %dma_wait3A_359 = arith.constant 0 : i32
    %dma_wait3A_360 = arith.constant 0 : i32
    %dma_wait3A_361 = tpu.memref_slice %arg2[%dma_wait3A_359, %dma_wait3A_360] : memref<8193x1024xf32, #tpu.memory_space<hbm>> -> memref<8193x1024xf32, #tpu.memory_space<hbm>>
    tpu.wait_indirect_dma semaphore(%arg30 : memref<!tpu.dma_semaphore, #tpu.memory_space<semaphore_mem>>) src(%dma_wait3A_361 : memref<8193x1024xf32, #tpu.memory_space<hbm>>) dst(%arg7 : memref<16x1024xf32, #tpu.memory_space<vmem>>)
    %add3A_362 = arith.constant 160 : i32
    %add3A_363 = arith.addi %mul3A_2, %add3A_362 : i32
    %dma_start3A_364 = arith.constant 0 : i32
    %dma_start3A_365 = tpu.memref_slice %arg3[%add3A_363, %dma_start3A_364] : memref<8192x1024xf32, #tpu.memory_space<hbm>> -> memref<16x1024xf32, #tpu.memory_space<hbm>>
    %dma_start3A_366 = arith.constant 0 : i32
    %dma_start3A_367 = tpu.memref_slice %arg3[%add3A_363, %dma_start3A_366] : memref<8192x1024xf32, #tpu.memory_space<hbm>> -> memref<16x1024xf32, #tpu.memory_space<hbm>>
    tpu.enqueue_dma source(%arg7 : memref<16x1024xf32, #tpu.memory_space<vmem>>) target(%dma_start3A_367 : memref<16x1024xf32, #tpu.memory_space<hbm>>) target_semaphore(%arg37 : memref<!tpu.dma_semaphore, #tpu.memory_space<semaphore_mem>>)
    %dma_wait3A_368 = arith.constant 0 : i32
    %dma_wait3A_369 = tpu.memref_slice %arg3[%add3A_331, %dma_wait3A_368] : memref<8192x1024xf32, #tpu.memory_space<hbm>> -> memref<16x1024xf32, #tpu.memory_space<hbm>>
    %dma_wait3A_370 = arith.constant 0 : i32
    %dma_wait3A_371 = tpu.memref_slice %arg3[%add3A_331, %dma_wait3A_370] : memref<8192x1024xf32, #tpu.memory_space<hbm>> -> memref<16x1024xf32, #tpu.memory_space<hbm>>
    tpu.wait_dma2 semaphore(%arg35 : memref<!tpu.dma_semaphore, #tpu.memory_space<semaphore_mem>>) src(%arg5 : memref<16x1024xf32, #tpu.memory_space<vmem>>) dst(%dma_wait3A_371 : memref<16x1024xf32, #tpu.memory_space<hbm>>)
    %dma_start3A_372 = arith.constant 0 : i32
    %dma_start3A_373 = arith.constant 0 : i32
    %dma_start3A_374 = tpu.memref_slice %arg2[%dma_start3A_372, %dma_start3A_373] : memref<8193x1024xf32, #tpu.memory_space<hbm>> -> memref<8193x1024xf32, #tpu.memory_space<hbm>>
    tpu.enqueue_indirect_dma source(%dma_start3A_374 : memref<8193x1024xf32, #tpu.memory_space<hbm>>) target(%arg5 : memref<16x1024xf32, #tpu.memory_space<vmem>>) offsets(%arg26 : memref<16xi32, #tpu.memory_space<vmem>>) semaphore(%arg28 : memref<!tpu.dma_semaphore, #tpu.memory_space<semaphore_mem>>)
    %dma_wait3A_375 = arith.constant 0 : i32
    %dma_wait3A_376 = arith.constant 0 : i32
    %dma_wait3A_377 = tpu.memref_slice %arg2[%dma_wait3A_375, %dma_wait3A_376] : memref<8193x1024xf32, #tpu.memory_space<hbm>> -> memref<8193x1024xf32, #tpu.memory_space<hbm>>
    tpu.wait_indirect_dma semaphore(%arg31 : memref<!tpu.dma_semaphore, #tpu.memory_space<semaphore_mem>>) src(%dma_wait3A_377 : memref<8193x1024xf32, #tpu.memory_space<hbm>>) dst(%arg8 : memref<16x1024xf32, #tpu.memory_space<vmem>>)
    %add3A_378 = arith.constant 176 : i32
    %add3A_379 = arith.addi %mul3A_2, %add3A_378 : i32
    %dma_start3A_380 = arith.constant 0 : i32
    %dma_start3A_381 = tpu.memref_slice %arg3[%add3A_379, %dma_start3A_380] : memref<8192x1024xf32, #tpu.memory_space<hbm>> -> memref<16x1024xf32, #tpu.memory_space<hbm>>
    %dma_start3A_382 = arith.constant 0 : i32
    %dma_start3A_383 = tpu.memref_slice %arg3[%add3A_379, %dma_start3A_382] : memref<8192x1024xf32, #tpu.memory_space<hbm>> -> memref<16x1024xf32, #tpu.memory_space<hbm>>
    tpu.enqueue_dma source(%arg8 : memref<16x1024xf32, #tpu.memory_space<vmem>>) target(%dma_start3A_383 : memref<16x1024xf32, #tpu.memory_space<hbm>>) target_semaphore(%arg38 : memref<!tpu.dma_semaphore, #tpu.memory_space<semaphore_mem>>)
    %dma_wait3A_384 = arith.constant 0 : i32
    %dma_wait3A_385 = arith.constant 0 : i32
    %dma_wait3A_386 = tpu.memref_slice %arg2[%dma_wait3A_384, %dma_wait3A_385] : memref<8193x1024xf32, #tpu.memory_space<hbm>> -> memref<8193x1024xf32, #tpu.memory_space<hbm>>
    tpu.wait_indirect_dma semaphore(%arg32 : memref<!tpu.dma_semaphore, #tpu.memory_space<semaphore_mem>>) src(%dma_wait3A_386 : memref<8193x1024xf32, #tpu.memory_space<hbm>>) dst(%arg9 : memref<16x1024xf32, #tpu.memory_space<vmem>>)
    %add3A_387 = arith.constant 192 : i32
    %add3A_388 = arith.addi %mul3A_2, %add3A_387 : i32
    %dma_start3A_389 = arith.constant 0 : i32
    %dma_start3A_390 = tpu.memref_slice %arg3[%add3A_388, %dma_start3A_389] : memref<8192x1024xf32, #tpu.memory_space<hbm>> -> memref<16x1024xf32, #tpu.memory_space<hbm>>
    %dma_start3A_391 = arith.constant 0 : i32
    %dma_start3A_392 = tpu.memref_slice %arg3[%add3A_388, %dma_start3A_391] : memref<8192x1024xf32, #tpu.memory_space<hbm>> -> memref<16x1024xf32, #tpu.memory_space<hbm>>
    tpu.enqueue_dma source(%arg9 : memref<16x1024xf32, #tpu.memory_space<vmem>>) target(%dma_start3A_392 : memref<16x1024xf32, #tpu.memory_space<hbm>>) target_semaphore(%arg39 : memref<!tpu.dma_semaphore, #tpu.memory_space<semaphore_mem>>)
    %dma_wait3A_393 = arith.constant 0 : i32
    %dma_wait3A_394 = arith.constant 0 : i32
    %dma_wait3A_395 = tpu.memref_slice %arg2[%dma_wait3A_393, %dma_wait3A_394] : memref<8193x1024xf32, #tpu.memory_space<hbm>> -> memref<8193x1024xf32, #tpu.memory_space<hbm>>
    tpu.wait_indirect_dma semaphore(%arg33 : memref<!tpu.dma_semaphore, #tpu.memory_space<semaphore_mem>>) src(%dma_wait3A_395 : memref<8193x1024xf32, #tpu.memory_space<hbm>>) dst(%arg10 : memref<16x1024xf32, #tpu.memory_space<vmem>>)
    %add3A_396 = arith.constant 208 : i32
    %add3A_397 = arith.addi %mul3A_2, %add3A_396 : i32
    %dma_start3A_398 = arith.constant 0 : i32
    %dma_start3A_399 = tpu.memref_slice %arg3[%add3A_397, %dma_start3A_398] : memref<8192x1024xf32, #tpu.memory_space<hbm>> -> memref<16x1024xf32, #tpu.memory_space<hbm>>
    %dma_start3A_400 = arith.constant 0 : i32
    %dma_start3A_401 = tpu.memref_slice %arg3[%add3A_397, %dma_start3A_400] : memref<8192x1024xf32, #tpu.memory_space<hbm>> -> memref<16x1024xf32, #tpu.memory_space<hbm>>
    tpu.enqueue_dma source(%arg10 : memref<16x1024xf32, #tpu.memory_space<vmem>>) target(%dma_start3A_401 : memref<16x1024xf32, #tpu.memory_space<hbm>>) target_semaphore(%arg40 : memref<!tpu.dma_semaphore, #tpu.memory_space<semaphore_mem>>)
    %dma_wait3A_402 = arith.constant 0 : i32
    %dma_wait3A_403 = arith.constant 0 : i32
    %dma_wait3A_404 = tpu.memref_slice %arg2[%dma_wait3A_402, %dma_wait3A_403] : memref<8193x1024xf32, #tpu.memory_space<hbm>> -> memref<8193x1024xf32, #tpu.memory_space<hbm>>
    tpu.wait_indirect_dma semaphore(%arg27 : memref<!tpu.dma_semaphore, #tpu.memory_space<semaphore_mem>>) src(%dma_wait3A_404 : memref<8193x1024xf32, #tpu.memory_space<hbm>>) dst(%arg4 : memref<16x1024xf32, #tpu.memory_space<vmem>>)
    %add3A_405 = arith.constant 224 : i32
    %add3A_406 = arith.addi %mul3A_2, %add3A_405 : i32
    %dma_start3A_407 = arith.constant 0 : i32
    %dma_start3A_408 = tpu.memref_slice %arg3[%add3A_406, %dma_start3A_407] : memref<8192x1024xf32, #tpu.memory_space<hbm>> -> memref<16x1024xf32, #tpu.memory_space<hbm>>
    %dma_start3A_409 = arith.constant 0 : i32
    %dma_start3A_410 = tpu.memref_slice %arg3[%add3A_406, %dma_start3A_409] : memref<8192x1024xf32, #tpu.memory_space<hbm>> -> memref<16x1024xf32, #tpu.memory_space<hbm>>
    tpu.enqueue_dma source(%arg4 : memref<16x1024xf32, #tpu.memory_space<vmem>>) target(%dma_start3A_410 : memref<16x1024xf32, #tpu.memory_space<hbm>>) target_semaphore(%arg34 : memref<!tpu.dma_semaphore, #tpu.memory_space<semaphore_mem>>)
    %dma_wait3A_411 = arith.constant 0 : i32
    %dma_wait3A_412 = arith.constant 0 : i32
    %dma_wait3A_413 = tpu.memref_slice %arg2[%dma_wait3A_411, %dma_wait3A_412] : memref<8193x1024xf32, #tpu.memory_space<hbm>> -> memref<8193x1024xf32, #tpu.memory_space<hbm>>
    tpu.wait_indirect_dma semaphore(%arg28 : memref<!tpu.dma_semaphore, #tpu.memory_space<semaphore_mem>>) src(%dma_wait3A_413 : memref<8193x1024xf32, #tpu.memory_space<hbm>>) dst(%arg5 : memref<16x1024xf32, #tpu.memory_space<vmem>>)
    %add3A_414 = arith.constant 240 : i32
    %add3A_415 = arith.addi %mul3A_2, %add3A_414 : i32
    %dma_start3A_416 = arith.constant 0 : i32
    %dma_start3A_417 = tpu.memref_slice %arg3[%add3A_415, %dma_start3A_416] : memref<8192x1024xf32, #tpu.memory_space<hbm>> -> memref<16x1024xf32, #tpu.memory_space<hbm>>
    %dma_start3A_418 = arith.constant 0 : i32
    %dma_start3A_419 = tpu.memref_slice %arg3[%add3A_415, %dma_start3A_418] : memref<8192x1024xf32, #tpu.memory_space<hbm>> -> memref<16x1024xf32, #tpu.memory_space<hbm>>
    tpu.enqueue_dma source(%arg5 : memref<16x1024xf32, #tpu.memory_space<vmem>>) target(%dma_start3A_419 : memref<16x1024xf32, #tpu.memory_space<hbm>>) target_semaphore(%arg35 : memref<!tpu.dma_semaphore, #tpu.memory_space<semaphore_mem>>)
    %dma_wait3A_420 = arith.constant 0 : i32
    %dma_wait3A_421 = tpu.memref_slice %arg3[%add3A_347, %dma_wait3A_420] : memref<8192x1024xf32, #tpu.memory_space<hbm>> -> memref<16x1024xf32, #tpu.memory_space<hbm>>
    %dma_wait3A_422 = arith.constant 0 : i32
    %dma_wait3A_423 = tpu.memref_slice %arg3[%add3A_347, %dma_wait3A_422] : memref<8192x1024xf32, #tpu.memory_space<hbm>> -> memref<16x1024xf32, #tpu.memory_space<hbm>>
    tpu.wait_dma2 semaphore(%arg36 : memref<!tpu.dma_semaphore, #tpu.memory_space<semaphore_mem>>) src(%arg6 : memref<16x1024xf32, #tpu.memory_space<vmem>>) dst(%dma_wait3A_423 : memref<16x1024xf32, #tpu.memory_space<hbm>>)
    %dma_wait3A_424 = arith.constant 0 : i32
    %dma_wait3A_425 = tpu.memref_slice %arg3[%add3A_363, %dma_wait3A_424] : memref<8192x1024xf32, #tpu.memory_space<hbm>> -> memref<16x1024xf32, #tpu.memory_space<hbm>>
    %dma_wait3A_426 = arith.constant 0 : i32
    %dma_wait3A_427 = tpu.memref_slice %arg3[%add3A_363, %dma_wait3A_426] : memref<8192x1024xf32, #tpu.memory_space<hbm>> -> memref<16x1024xf32, #tpu.memory_space<hbm>>
    tpu.wait_dma2 semaphore(%arg37 : memref<!tpu.dma_semaphore, #tpu.memory_space<semaphore_mem>>) src(%arg7 : memref<16x1024xf32, #tpu.memory_space<vmem>>) dst(%dma_wait3A_427 : memref<16x1024xf32, #tpu.memory_space<hbm>>)
    %dma_wait3A_428 = arith.constant 0 : i32
    %dma_wait3A_429 = tpu.memref_slice %arg3[%add3A_379, %dma_wait3A_428] : memref<8192x1024xf32, #tpu.memory_space<hbm>> -> memref<16x1024xf32, #tpu.memory_space<hbm>>
    %dma_wait3A_430 = arith.constant 0 : i32
    %dma_wait3A_431 = tpu.memref_slice %arg3[%add3A_379, %dma_wait3A_430] : memref<8192x1024xf32, #tpu.memory_space<hbm>> -> memref<16x1024xf32, #tpu.memory_space<hbm>>
    tpu.wait_dma2 semaphore(%arg38 : memref<!tpu.dma_semaphore, #tpu.memory_space<semaphore_mem>>) src(%arg8 : memref<16x1024xf32, #tpu.memory_space<vmem>>) dst(%dma_wait3A_431 : memref<16x1024xf32, #tpu.memory_space<hbm>>)
    %dma_wait3A_432 = arith.constant 0 : i32
    %dma_wait3A_433 = tpu.memref_slice %arg3[%add3A_388, %dma_wait3A_432] : memref<8192x1024xf32, #tpu.memory_space<hbm>> -> memref<16x1024xf32, #tpu.memory_space<hbm>>
    %dma_wait3A_434 = arith.constant 0 : i32
    %dma_wait3A_435 = tpu.memref_slice %arg3[%add3A_388, %dma_wait3A_434] : memref<8192x1024xf32, #tpu.memory_space<hbm>> -> memref<16x1024xf32, #tpu.memory_space<hbm>>
    tpu.wait_dma2 semaphore(%arg39 : memref<!tpu.dma_semaphore, #tpu.memory_space<semaphore_mem>>) src(%arg9 : memref<16x1024xf32, #tpu.memory_space<vmem>>) dst(%dma_wait3A_435 : memref<16x1024xf32, #tpu.memory_space<hbm>>)
    %dma_wait3A_436 = arith.constant 0 : i32
    %dma_wait3A_437 = tpu.memref_slice %arg3[%add3A_397, %dma_wait3A_436] : memref<8192x1024xf32, #tpu.memory_space<hbm>> -> memref<16x1024xf32, #tpu.memory_space<hbm>>
    %dma_wait3A_438 = arith.constant 0 : i32
    %dma_wait3A_439 = tpu.memref_slice %arg3[%add3A_397, %dma_wait3A_438] : memref<8192x1024xf32, #tpu.memory_space<hbm>> -> memref<16x1024xf32, #tpu.memory_space<hbm>>
    tpu.wait_dma2 semaphore(%arg40 : memref<!tpu.dma_semaphore, #tpu.memory_space<semaphore_mem>>) src(%arg10 : memref<16x1024xf32, #tpu.memory_space<vmem>>) dst(%dma_wait3A_439 : memref<16x1024xf32, #tpu.memory_space<hbm>>)
    %dma_wait3A_440 = arith.constant 0 : i32
    %dma_wait3A_441 = tpu.memref_slice %arg3[%add3A_406, %dma_wait3A_440] : memref<8192x1024xf32, #tpu.memory_space<hbm>> -> memref<16x1024xf32, #tpu.memory_space<hbm>>
    %dma_wait3A_442 = arith.constant 0 : i32
    %dma_wait3A_443 = tpu.memref_slice %arg3[%add3A_406, %dma_wait3A_442] : memref<8192x1024xf32, #tpu.memory_space<hbm>> -> memref<16x1024xf32, #tpu.memory_space<hbm>>
    tpu.wait_dma2 semaphore(%arg34 : memref<!tpu.dma_semaphore, #tpu.memory_space<semaphore_mem>>) src(%arg4 : memref<16x1024xf32, #tpu.memory_space<vmem>>) dst(%dma_wait3A_443 : memref<16x1024xf32, #tpu.memory_space<hbm>>)
    %dma_wait3A_444 = arith.constant 0 : i32
    %dma_wait3A_445 = tpu.memref_slice %arg3[%add3A_415, %dma_wait3A_444] : memref<8192x1024xf32, #tpu.memory_space<hbm>> -> memref<16x1024xf32, #tpu.memory_space<hbm>>
    %dma_wait3A_446 = arith.constant 0 : i32
    %dma_wait3A_447 = tpu.memref_slice %arg3[%add3A_415, %dma_wait3A_446] : memref<8192x1024xf32, #tpu.memory_space<hbm>> -> memref<16x1024xf32, #tpu.memory_space<hbm>>
    tpu.wait_dma2 semaphore(%arg35 : memref<!tpu.dma_semaphore, #tpu.memory_space<semaphore_mem>>) src(%arg5 : memref<16x1024xf32, #tpu.memory_space<vmem>>) dst(%dma_wait3A_447 : memref<16x1024xf32, #tpu.memory_space<hbm>>)
    return
  }
}

</mosaic_0001>

<sc_bundles>
// kernel: kernel.3.cloned.1.call-start
scs
__scs_entry_jumppad:
0x0: {  	(pc) =	sbr.rel $0x88, $3  }
0x1: {  	(tag) =	ssettag $0x0;
	lr =	simm.s32 $0x1  }
0x2: {  	[smem:$0x3FA0] =	sst lr;
	_ =	strace $0xD0000000  }
0x3: {  	_ = 	snop  }
0x4: {  	_ = 	snop  }
0x5: {  	_ = 	snop  }
0x6: {  	_ = 	snop  }
0x7: {  	_ = 	snop  }
__scs_overlays_trampoline_lowered:
0x8: {  	[smem:$0x3FAF] =	sst s0  }
0x9: {  	[smem:$0x3FB0] =	sst s1  }
0xa: {  	[smem:$0x3FB1] =	sst s2  }
0xb: {  	[smem:$0x3FB2] =	sst s3  }
0xc: {  	[smem:$0x3FB3] =	sst s4  }
0xd: {  	[smem:$0x3FB4] =	sst s5  }
0xe: {  	[smem:$0x3FB5] =	sst s6  }
0xf: {  	[smem:$0x3FB6] =	sst s7  }
0x10: {  	[smem:$0x3FB7] =	sst s8  }
0x11: {  	[smem:$0x3FB8] =	sst s9;
	s0 =	simm.s32 @!p0 $0x0  }
0x12: {  	s1 =	sld [smem:$0x3F9E];
	s0 =	simm.s32 @p0 $0x1  }
0x13: {  	[smem:$0x3FB9] =	sst s0;
	s0 =	simm.s32 @!p1 $0x0  }
0x14: {  	s2 =	sld [smem:$0x3F9D];
	s0 =	simm.s32 @p1 $0x1  }
0x15: {  	[smem:$0x3FBA] =	sst s0;
	s0 =	simm.s32 @!p2 $0x0  }
0x16: {  	s3 =	sld [smem:$0x3FDB];
	s0 =	simm.s32 @p2 $0x1  }
0x17: {  	s4 =	simm.s32 $0x1BF5;
	[smem:$0x3FBC] =	sst s0  }
0x18: {  	s0 =	sld [smem:$0x3F9F];
	_ =	swait.ge [sflag:s4], $0x0  }
0x19: {  	s7 =	sld [smem:$0x3FA0]  }
0x1a: {  	s8 =	sadd.s32 $0xFFFFE003, lr  }
0x1b: {  	s9 =	sadd.s32 $0xFFFFFEF7, lr;
	s5 =	simm.s32 $0xFFFFFFFF;
	p2 =	slt.u32 s8, $0xFFFFF086  }
0x1c: {  	p1 =	slt.u32 s9, $0xF7A;
	s5 =	simm.s32 @!p2 $0x0  }
0x1d: {  	s5 =	simm.s32 @p1 $0x1;
	p0 =	seq.s32 s7, s2  }
0x1e: {  	s7 =	smul.u32 @!p0 $0xF7A, s2;
	p2 =	seq.s32 @!p0 s5, $0x0  }
0x1f: {  	s9 =	smul.u32 $0xF7A, s1;
	s8 =	simm.s32 @!p0 $0x1BF5;
	p2 =	por !p2, p0  }
0x20: {  	[sflag:s8] =	ssyncset.s32 @!p0 $0xFFFFF086;
	s6 =	sadd.s32 @!p0 s3, s7;
	s7 =	simm.s32 @!p0 $0x108  }
0x21: {  	s3 =	sadd.s32 s3, s9;
	s6 =	sadd.s32 @!p0 $0x88, s6;
	s7 =	simm.s32 @p2 $0x1082  }
0x22: {  	[simem:s7], [sflag:s8] =	dma.local @!p0 [hbm:s6], $0xF7A  }
0x23: {  	s9 =	sor.u32 $0xD0000000, s2;
	s6 =	simm.s32 $0x108;
	_ =	swait.ge @!p0 [sflag:s8], $0x0  }
0x24: {  	s3 =	sadd.s32 $0x88, s3;
	s6 =	simm.s32 @!p1 $0x1082;
	[sflag:s4] =	ssyncset.s32 $0xFFFFF086  }
0x25: {  	[simem:s6], [sflag:s4] =	dma.local [hbm:s3], $0xF7A  }
0x26: {  	[smem:$0x3FA0] =	sst s1;
	(tag) =	ssettag s2;
	_ =	strace s9  }
0x27: {  	s1 =	sld [smem:$0x3FB0]  }
0x28: {  	s2 =	sld [smem:$0x3FB1]  }
0x29: {  	s4 =	sld [smem:$0x3FB3]  }
0x2a: {  	p0 =	seq.s32 s5, $0x0;
	s5 =	sld [smem:$0x3FB4]  }
0x2b: {  	s6 =	sld [smem:$0x3FB5]  }
0x2c: {  	s7 =	sld [smem:$0x3FB6]  }
0x2d: {  	s3 =	simm.s32 $0x108;
	s8 =	sld [smem:$0x3FB7]  }
0x2e: {  	s3 =	simm.s32 @!p0 $0x1082;
	s9 =	sld [smem:$0x3FB8]  }
0x2f: {  	lr =	sadd.s32 s0, s3;
	s0 =	sld [smem:$0x3FAF]  }
0x30: {  	s3 =	sld [smem:$0x3FB2]  }
0x31: {  	[smem:$0x3FBB] =	sst s10  }
0x32: {  	s10 =	sld [smem:$0x3FB9];
	_ =	sdelay $0x3  }
0x33: {  	p0 =	seq.s32 s10, $0x1;
	s10 =	sld [smem:$0x3FBB];
	_ =	sdelay $0x3  }
0x34: {  	[smem:$0x3FBB] =	sst s10  }
0x35: {  	s10 =	sld [smem:$0x3FBA];
	_ =	sdelay $0x3  }
0x36: {  	p1 =	seq.s32 s10, $0x1;
	s10 =	sld [smem:$0x3FBB];
	_ =	sdelay $0x3  }
0x37: {  	[smem:$0x3FBB] =	sst s10  }
0x38: {  	s10 =	sld [smem:$0x3FBC]  }
0x39: {  	_ = 	snop;
	(pc) =	sbr.ind lr, $3  }
0x3a: {  	_ = 	snop  }
0x3b: {  	_ = 	snop  }
0x3c: {  	p2 =	seq.s32 s10, $0x1;
	s10 =	sld [smem:$0x3FBB]  }
0x3d: {  	_ =	shalt  }
0x3e: {  	_ =	shalt  }
0x3f: {  	_ =	shalt  }
0x40: {  	_ =	shalt  }
0x41: {  	_ =	shalt  }
0x42: {  	_ =	shalt  }
0x43: {  	_ =	shalt  }
0x44: {  	_ =	shalt  }
0x45: {  	_ =	shalt  }
0x46: {  	_ =	shalt  }
0x47: {  	_ =	shalt  }
0x48: {  	_ =	shalt  }
0x49: {  	_ =	shalt  }
0x4a: {  	_ =	shalt  }
0x4b: {  	_ =	shalt  }
0x4c: {  	_ =	shalt  }
0x4d: {  	_ =	shalt  }
0x4e: {  	_ =	shalt  }
0x4f: {  	_ =	shalt  }
0x50: {  	_ =	shalt  }
0x51: {  	_ =	shalt  }
0x52: {  	_ =	shalt  }
0x53: {  	_ =	shalt  }
0x54: {  	_ =	shalt  }
0x55: {  	_ =	shalt  }
0x56: {  	_ =	shalt  }
0x57: {  	_ =	shalt  }
0x58: {  	_ =	shalt  }
0x59: {  	_ =	shalt  }
0x5a: {  	_ =	shalt  }
0x5b: {  	_ =	shalt  }
0x5c: {  	_ =	shalt  }
0x5d: {  	_ =	shalt  }
0x5e: {  	_ =	shalt  }
0x5f: {  	_ =	shalt  }
0x60: {  	_ =	shalt  }
0x61: {  	_ =	shalt  }
0x62: {  	_ =	shalt  }
0x63: {  	_ =	shalt  }
0x64: {  	_ =	shalt  }
0x65: {  	_ =	shalt  }
0x66: {  	_ =	shalt  }
0x67: {  	_ =	shalt  }
0x68: {  	_ =	shalt  }
0x69: {  	_ =	shalt  }
0x6a: {  	_ =	shalt  }
0x6b: {  	_ =	shalt  }
0x6c: {  	_ =	shalt  }
0x6d: {  	_ =	shalt  }
0x6e: {  	_ =	shalt  }
0x6f: {  	_ =	shalt  }
0x70: {  	_ =	shalt  }
0x71: {  	_ =	shalt  }
0x72: {  	_ =	shalt  }
0x73: {  	_ =	shalt  }
0x74: {  	_ =	shalt  }
0x75: {  	_ =	shalt  }
0x76: {  	_ =	shalt  }
0x77: {  	_ =	shalt  }
0x78: {  	_ =	shalt  }
0x79: {  	_ =	shalt  }
0x7a: {  	_ =	shalt  }
0x7b: {  	_ =	shalt  }
0x7c: {  	_ =	shalt  }
0x7d: {  	_ =	shalt  }
0x7e: {  	_ =	shalt  }
0x7f: {  	_ =	shalt  }
0x80: {  	_ =	shalt  }
0x81: {  	_ =	shalt  }
0x82: {  	_ =	shalt  }
0x83: {  	_ =	shalt  }
0x84: {  	_ =	shalt  }
0x85: {  	_ =	shalt  }
0x86: {  	_ =	shalt  }
0x87: {  	_ =	shalt  }
.Lfunc_end0:
.L_simem_size_0:
called_computation_lowered:
.L_overlay_start_0:
0x88: {  	s2 =	sld [smem:$0x3FD9]  }
0x89: {  	s3 =	sld [smem:$0x3FFE];
	_ =	sdelay $0x1  }
0x8a: {  	s1 =	srdreg.scid  }
0x8b: {  	s0 =	sand.u32 $0x1, s1  }
0x8c: {  	s18 =	sshll.u32 s0, $0xA;
	s2 =	sadd.s32 s3, s2  }
0x8d: {  	s2 =	sadd.s32 s2, s18  }
0x8e: {  	[smem:$0x3FC7] =	sst s2  }
0x8f: {  	_ = 	snop  }
0x90: {  	s2 =	sld [smem:$0x3FC9]  }
0x91: {  	s19 =	sld [smem:$0x3FD0];
	(tm) =	ssettm $0x1  }
0x92: {  	s4 =	sld [smem:$0x3FFB];
	_ =	sdelay $0x3  }
0x93: {  	_ =	strace s4  }
0x94: {  	s4 =	sld [smem:$0x3FFC];
	_ =	sdelay $0x3  }
0x95: {  	_ =	strace s4  }
0x96: {  	s4 =	sld [smem:$0x3FFD];
	_ =	sdelay $0x3  }
0x97: {  	_ =	strace s4  }
0x98: {  	_ =	strace $0x8FFFFFFF  }
0x99: {  	s20 =	sld [smem:$0x3FDB];
	_ =	sdelay $0x1  }
0x9a: {  	s5 =	simm.s32 $_scs_section_size  }
0x9b: {  	s6 =	simm.s32 $_size__tile_overlayer_lowered;
	s7 =	simm.s32 $_tile_overlayer_lowered  }
0x9c: {  	s23 =	simm.s32 $0x1BFF;
	s22 =	sshll.u32 s7, $0x1;
	s4 =	sadd.s32 s5, s20  }
0x9d: {  	s8 =	simm.s32 $0x0;
	s21 =	sshll.u32 s6, $0x1;
	s6 =	sadd.s32 s22, s4  }
0x9e: {  	[timem:s8], [sflag:s23] =	dma.local [hbm:s6], s21  }
0x9f: {  	_ =	swait.ge [sflag:s23], s21  }
0xa0: {  	s5 =	ssub.s32 $0x0, s21;
	[sflag:s23] =	ssyncset.done $0x0  }
0xa1: {  	[sflag:s23] =	ssyncadd.s32 s5;
	_ =	sdelay $0x1  }
0xa2: {  	s24 =	simm.s32 $0x1B8B  }
0xa3: {  	_ =	swait.ge [sflag:s24], $0x1  }
0xa4: {  	[sflag:s24] =	ssyncset.done $0x0  }
0xa5: {  	s25 =	simm.s32 $0x1B8E;
	[sflag:s24] =	ssyncadd.s32 $0xFFFFFFFF  }
0xa6: {  	s26 =	simm.s32 $execute0_lowered;
	[smem:$0x3FD2] =	sst s25  }
0xa7: {  	s5 =	sshll.u32 s26, $0x1;
	_ =	strace $0x80000046;
	[dreg:$0x1] =	wrdreg $0xFFFFFFFF  }
0xa8: {  	s28 =	simm.s32 $_size_execute0_lowered;
	s4 =	sadd.s32 s4, s5;
	[dreg:$0x0] =	wrdreg $0x0  }
0xa9: {  	s5 =	sshll.u32 s28, $0x1;
	[dreg:$0x2] =	wrdreg s4  }
0xaa: {  	[dreg:$0x3] =	wrdreg s5  }
0xab: {  	[dreg:$0x4] =	wrdreg $0xC0  }
0xac: {  	_ =	task [dreg:s8], $0x5FFFF  }
0xad: {  	[dreg:$0x1] =	wrdreg $0xFFFFFFFF  }
0xae: {  	[dreg:$0x0] =	wrdreg $0x60  }
0xaf: {  	[dreg:$0x2] =	wrdreg s2  }
0xb0: {  	[dreg:$0x3] =	wrdreg s19  }
0xb1: {  	[dreg:$0x4] =	wrdreg $0x9  }
0xb2: {  	_ =	task.clear_ibuf [dreg:s8], $0x5FFFF;
	_ =	strace $0x90000046  }
0xb3: {  	s29 =	simm.s32 $0x9;
	_ =	strace $0x80000048  }
0xb4: {  	_ =	swait.ge [sflag:s29], $0x1  }
0xb5: {  	[sflag:s29] =	ssyncadd.s32 $0xFFFFFFFF  }
0xb6: {  	_ =	strace $0x90000048  }
0xb7: {  	_ =	sfence  }
0xb8: {  	s30 =	sld [smem:$0x0];
	_ =	sdelay $0x2  }
0xb9: {  	s31 =	sshll.u32 s1, $0xD;
	s1 =	sshrl.u32 s1, $0x2  }
0xba: {  	s3 =	sand.u32 $0x4000, s31;
	s1 =	sadd.s32 s1, s30  }
0xbb: {  	s0 =	sor.u32 s3, s0;
	s1 =	sshll.u32 s1, $0x11  }
0xbc: {  	s0 =	sor.u32 s1, s0  }
0xbd: {  	s0 =	sadd.s32 $0x8F2B, s0  }
0xbe: {  	[sflag:s0] =	ssyncadd.remote.s32 $0x1  }
0xbf: {  	_ =	sfence.sel $0xFFFF  }
0xc0: {  	[dreg:$0x0] =	wrdreg $0xFFFFFFFF;
	(pc) =	sbr.abs _section_cstart, $3  }
0xc1: {  	[dreg:$0x1] =	wrdreg $0xFFFFFFFF  }
0xc2: {  	_ =	task.clear_ibuf [dreg:s8], $0x2FFFF;
	_ =	strace $0x9FFFFFFF  }
0xc3: {  	(tm) =	ssettm $0x7FFFFFFF  }
tec
execute0_lowered:
.L_overlay_start_1:
0x0: {  	(tag) =	ssettag $0x1  }
0x1: {  	s1 =	rddreg [dreg:$0x0]  }
0x2: {  	s0 =	rddreg [dreg:$0x1];
	s2 =	srdreg.scid;
	s3 =	simm.s32 $0x0  }
0x3: {  	s5 =	stileid.u32;
	s29 =	simm.s32 $0xC800;
	s28 =	simm.s32 $0x3  }
0x4: {  	s2 =	sand.u32 $0x1, s2;
	s5 =	sshll.u32 s5, $0x9;
	[smem:$0x7FF] =	sst s3  }
0x5: {  	s4 =	ssub.s32 $0x2, s2;
	s2 =	sshll.u32 s2, $0x8;
	_ =	strace $0x80000047  }
0x6: {  	s6 =	sshrl.u32 s4, $0x1;
	s2 =	sor.u32 s2, s5;
	s5 =	sadd.s32 $0x100, s1  }
0x7: {  	s8 =	ssub.s32 s4, s6;
	s21 =	sshll.u32 s2, $0x7;
	s26 =	sor.u32 $0x1, s2  }
0x8: {  	s30 =	sor.u32 $0x11, s2;
	s19 =	sor.u32 $0x31, s2;
	s20 =	sor.u32 $0x41, s2  }
0x9: {  	s12 =	sor.u32 $0x51, s2;
	s13 =	sor.u32 $0x71, s2;
	s17 =	sor.u32 $0x81, s2  }
0xa: {  	s15 =	sor.u32 $0x91, s2;
	s18 =	sor.u32 $0xA1, s2;
	s7 =	sadd.s32 s0, s21  }
0xb: {  	s31 =	sor.u32 $0xB1, s2;
	s4 =	sadd.s32 $0x800, s7;
	[dreg:$0x12] =	wrdreg s7  }
0xc: {  	s16 =	sor.u32 $0xC1, s2;
	s22 =	sadd.s32 $0x1000, s7;
	[dreg:$0x3] =	wrdreg s4  }
0xd: {  	s0 =	sor.u32 $0x21, s2;
	s23 =	sadd.s32 $0x1800, s7;
	[dreg:$0x4] =	wrdreg s22  }
0xe: {  	v18 =	vlaneseq.u32;
	s8 =	smax.u32 s8, $0x1;
	s24 =	sadd.s32 $0x2000, s7;
	[dreg:$0x5] =	wrdreg s23  }
0xf: {  	v0 =	vadd.s32 s26, v18;
	s26 =	simm.s32 $0x2;
	s25 =	sadd.s32 $0x2800, s7;
	[dreg:$0x6] =	wrdreg s24  }
0x10: {  	v11 =	vadd.s32 s31, v18;
	s31 =	simm.s32 $0x8;
	s6 =	sadd.s32 $0x3000, s7;
	[dreg:$0x7] =	wrdreg s25  }
0x11: {  	v1 =	vadd.s32 s30, v18;
	s30 =	simm.s32 $0x9000;
	s9 =	sadd.s32 $0x3800, s7;
	[dreg:$0x8] =	wrdreg s6  }
0x12: {  	v9 =	vadd.s32 s15, v18;
	s15 =	simm.s32 $0x10000;
	s10 =	sadd.s32 $0x4000, s7;
	[dreg:$0x9] =	wrdreg s9  }
0x13: {  	s11 =	sadd.s32 $0x4800, s7;
	s14 =	sadd.s32 $0x5000, s7;
	[dreg:$0xa] =	wrdreg s10  }
0x14: {  	s21 =	sadd.s32 $0x5800, s7;
	s4 =	sor.u32 $0x61, s2;
	[dreg:$0xb] =	wrdreg s11  }
0x15: {  	s10 =	sor.u32 $0xD1, s2;
	[dreg:$0xc] =	wrdreg s14;
	s9 =	sor.u32 $0xE1, s2  }
0x16: {  	vm0 =	vmmov $0xffff;
	v17 =	vshrl.u32 v18, $0x3;
	[dreg:$0xd] =	wrdreg s21;
	s22 =	sadd.s32 $0x6000, s7;
	s11 =	sor.u32 $0xF1, s2  }
0x17: {  	v16 =	vand.u32 $0x7, v18;
	v17 =	vmul.u32 $0x8, v17;
	v3 =	vadd.s32 s19, v18;
	s23 =	sadd.s32 $0x6800, s7;
	s24 =	sadd.s32 $0x7000, s7;
	[dreg:$0xe] =	wrdreg s22  }
0x18: {  	v4 =	vadd.s32 s20, v18;
	v5 =	vadd.s32 s12, v18;
	v7 =	vadd.s32 s13, v18;
	s6 =	sadd.s32 $0x200, s1;
	s25 =	sadd.s32 $0x7800, s7;
	[dreg:$0xf] =	wrdreg s23  }
0x19: {  	v8 =	vadd.s32 s17, v18;
	v10 =	vadd.s32 s18, v18;
	v12 =	vadd.s32 s16, v18;
	s7 =	sadd.s32 $0x300, s1;
	s14 =	simm.s32 $0x1;
	[dreg:$0x10] =	wrdreg s24  }
0x1a: {  	v2 =	vadd.s32 s0, v18;
	[dreg:$0x11] =	wrdreg s25;
	v6 =	vadd.s32 s4, v18;
	v14 =	vadd.s32 s9, v18;
	s9 =	simm.s32 $0x9;
	s23 =	simm.s32 $0xB000  }
0x1b: {  	v13 =	vadd.s32 s10, v18;
	v15 =	vadd.s32 s11, v18;
	v18 =	vor.u32 $0x8, v18;
	s24 =	simm.s32 $0xB800;
	s25 =	simm.s32 $0xC000;
	s4 =	simm.s32 $0x14000  }
.LBB2_1:
0x1c: {  	[tilespmem:$0x1C000] =	vst v0  }
0x1d: {  	[tilespmem:$0x1C080] =	vst v1;
	v19 =	vld [tilespmem:$0x1C000]  }
0x1e: {  	[tilespmem:$0x1C100] =	vst v2  }
0x1f: {  	[tilespmem:$0x1C180] =	vst v3  }
0x20: {  	[tilespmem:$0x1C200] =	vst v4  }
0x21: {  	[tilespmem:$0x1C280] =	vst v5  }
0x22: {  	[tilespmem:$0x1C300] =	vst v6;
	v20 =	vshll.u32 v19, $0x3  }
0x23: {  	[tilespmem:$0x1C380] =	vst v7;
	v19 =	vand.u32 $0x7, v19;
	v20 =	vand.u32 $0xFFFFFFC0, v20  }
0x24: {  	[tilespmem:$0x1C400] =	vst v8;
	v19 =	vor.u32 v19, v20  }
0x25: {  	[tilespmem:$0x1C480] =	vst v9;
	v20 =	vperm.xlane v19, v16  }
0x26: {  	[tilespmem:$0x1C500] =	vst v10  }
0x27: {  	[tilespmem:$0x1C580] =	vst v11;
	v20 =	vadd.s32 v17, v20  }
0x28: {  	[tilespmem:$0x1C600] =	vst v12  }
0x29: {  	[tilespmem:$0x1C680] =	vst v13  }
0x2a: {  	[tilespmem:$0x1C700] =	vst v14  }
0x2b: {  	[tilespmem:$0x1C780] =	vst v15  }
0x2c: {  	[tilespmem:s3], [sflag:$0x1] =	stream.indirect_vreg.gather [hbm4b:s1+s3], $0x80, v20, vm0, $0xb8;
	[tilespmem:$0x1C800] =	vst v63  }
0x2d: {  	s0 =	simm.s32 $0x800;
	v19 =	vperm.xlane v19, v18  }
0x2e: {  	[tilespmem:s0], [sflag:$0x1] =	stream.indirect_vreg.gather [hbm4b:s5+s3], $0x80, v20, vm0, $0xb8;
	[tilespmem:$0x1C800] =	vst v63  }
0x2f: {  	s13 =	simm.s32 $0x1000;
	v19 =	vadd.s32 v17, v19  }
0x30: {  	[tilespmem:s13], [sflag:$0x1] =	stream.indirect_vreg.gather [hbm4b:s6+s3], $0x80, v20, vm0, $0xb8;
	[tilespmem:$0x1C800] =	vst v63  }
0x31: {  	s16 =	simm.s32 $0x1800  }
0x32: {  	[tilespmem:s16], [sflag:$0x1] =	stream.indirect_vreg.gather [hbm4b:s7+s3], $0x80, v20, vm0, $0xb8;
	[tilespmem:$0x1C800] =	vst v63  }
0x33: {  	s17 =	simm.s32 $0x2000  }
0x34: {  	[tilespmem:s17], [sflag:$0x1] =	stream.indirect_vreg.gather [hbm4b:s1+s3], $0x80, v19, vm0, $0xb8;
	[tilespmem:$0x1C800] =	vst v63  }
0x35: {  	s18 =	simm.s32 $0x2800  }
0x36: {  	[tilespmem:s18], [sflag:$0x1] =	stream.indirect_vreg.gather [hbm4b:s5+s3], $0x80, v19, vm0, $0xb8;
	[tilespmem:$0x1C800] =	vst v63  }
0x37: {  	s19 =	simm.s32 $0x3000  }
0x38: {  	[tilespmem:s19], [sflag:$0x1] =	stream.indirect_vreg.gather [hbm4b:s6+s3], $0x80, v19, vm0, $0xb8;
	[tilespmem:$0x1C800] =	vst v63  }
0x39: {  	s20 =	simm.s32 $0x3800  }
0x3a: {  	[tilespmem:s20], [sflag:$0x1] =	stream.indirect_vreg.gather [hbm4b:s7+s3], $0x80, v19, vm0, $0xb8;
	[tilespmem:$0x1C800] =	vst v63  }
0x3b: {  	v19 =	vld [tilespmem:$0x1C080];
	_ =	sdelay $0x4  }
0x3c: {  	v20 =	vshll.u32 v19, $0x3  }
0x3d: {  	v19 =	vand.u32 $0x7, v19;
	v20 =	vand.u32 $0xFFFFFFC0, v20  }
0x3e: {  	v19 =	vor.u32 v19, v20  }
0x3f: {  	v20 =	vperm.xlane v19, v16;
	_ =	sdelay $0x1  }
0x40: {  	v20 =	vadd.s32 v17, v20;
	_ =	sdelay $0x3  }
0x41: {  	s0 =	simm.s32 $0x4000  }
0x42: {  	[tilespmem:s0], [sflag:$0x2] =	stream.indirect_vreg.gather [hbm4b:s1+s3], $0x80, v20, vm0, $0xb8;
	[tilespmem:$0x1C800] =	vst v63  }
0x43: {  	s2 =	simm.s32 $0x4800;
	v19 =	vperm.xlane v19, v18  }
0x44: {  	[tilespmem:s2], [sflag:$0x2] =	stream.indirect_vreg.gather [hbm4b:s5+s3], $0x80, v20, vm0, $0xb8;
	[tilespmem:$0x1C800] =	vst v63  }
0x45: {  	s21 =	simm.s32 $0x5000;
	v19 =	vadd.s32 v17, v19  }
0x46: {  	[tilespmem:s21], [sflag:$0x2] =	stream.indirect_vreg.gather [hbm4b:s6+s3], $0x80, v20, vm0, $0xb8;
	[tilespmem:$0x1C800] =	vst v63  }
0x47: {  	s22 =	simm.s32 $0x5800  }
0x48: {  	[tilespmem:s22], [sflag:$0x2] =	stream.indirect_vreg.gather [hbm4b:s7+s3], $0x80, v20, vm0, $0xb8;
	[tilespmem:$0x1C800] =	vst v63  }
0x49: {  	s10 =	simm.s32 $0x6000  }
0x4a: {  	[tilespmem:s10], [sflag:$0x2] =	stream.indirect_vreg.gather [hbm4b:s1+s3], $0x80, v19, vm0, $0xb8;
	[tilespmem:$0x1C800] =	vst v63  }
0x4b: {  	s16 =	simm.s32 $0x6800  }
0x4c: {  	[tilespmem:s16], [sflag:$0x2] =	stream.indirect_vreg.gather [hbm4b:s5+s3], $0x80, v19, vm0, $0xb8;
	[tilespmem:$0x1C800] =	vst v63  }
0x4d: {  	s17 =	simm.s32 $0x7000  }
0x4e: {  	[tilespmem:s17], [sflag:$0x2] =	stream.indirect_vreg.gather [hbm4b:s6+s3], $0x80, v19, vm0, $0xb8;
	[tilespmem:$0x1C800] =	vst v63  }
0x4f: {  	s18 =	simm.s32 $0x7800  }
0x50: {  	[tilespmem:s18], [sflag:$0x2] =	stream.indirect_vreg.gather [hbm4b:s7+s3], $0x80, v19, vm0, $0xb8;
	[tilespmem:$0x1C800] =	vst v63  }
0x51: {  	v19 =	vld [tilespmem:$0x1C100];
	_ =	sdelay $0x4  }
0x52: {  	v20 =	vshll.u32 v19, $0x3  }
0x53: {  	v19 =	vand.u32 $0x7, v19;
	v20 =	vand.u32 $0xFFFFFFC0, v20  }
0x54: {  	v19 =	vor.u32 v19, v20  }
0x55: {  	v20 =	vperm.xlane v19, v16;
	_ =	sdelay $0x1  }
0x56: {  	v20 =	vadd.s32 v17, v20;
	_ =	sdelay $0x3  }
0x57: {  	s10 =	simm.s32 $0x8000  }
0x58: {  	[tilespmem:s10], [sflag:$0x3] =	stream.indirect_vreg.gather [hbm4b:s1+s3], $0x80, v20, vm0, $0xb8;
	[tilespmem:$0x1C800] =	vst v63  }
0x59: {  	s16 =	simm.s32 $0x8800;
	v19 =	vperm.xlane v19, v18  }
0x5a: {  	[tilespmem:s16], [sflag:$0x3] =	stream.indirect_vreg.gather [hbm4b:s5+s3], $0x80, v20, vm0, $0xb8;
	[tilespmem:$0x1C800] =	vst v63  }
0x5b: {  	v19 =	vadd.s32 v17, v19  }
0x5c: {  	[tilespmem:s30], [sflag:$0x3] =	stream.indirect_vreg.gather [hbm4b:s6+s3], $0x80, v20, vm0, $0xb8;
	[tilespmem:$0x1C800] =	vst v63  }
0x5d: {  	s20 =	simm.s32 $0x9800  }
0x5e: {  	[tilespmem:s20], [sflag:$0x3] =	stream.indirect_vreg.gather [hbm4b:s7+s3], $0x80, v20, vm0, $0xb8;
	[tilespmem:$0x1C800] =	vst v63  }
0x5f: {  	s21 =	simm.s32 $0xA000  }
0x60: {  	[tilespmem:s21], [sflag:$0x3] =	stream.indirect_vreg.gather [hbm4b:s1+s3], $0x80, v19, vm0, $0xb8;
	[tilespmem:$0x1C800] =	vst v63  }
0x61: {  	s22 =	simm.s32 $0xA800  }
0x62: {  	[tilespmem:s22], [sflag:$0x3] =	stream.indirect_vreg.gather [hbm4b:s5+s3], $0x80, v19, vm0, $0xb8;
	[tilespmem:$0x1C800] =	vst v63  }
0x63: {  	_ = 	snop  }
0x64: {  	[tilespmem:s23], [sflag:$0x3] =	stream.indirect_vreg.gather [hbm4b:s6+s3], $0x80, v19, vm0, $0xb8;
	[tilespmem:$0x1C800] =	vst v63  }
0x65: {  	_ = 	snop  }
0x66: {  	[tilespmem:s24], [sflag:$0x3] =	stream.indirect_vreg.gather [hbm4b:s7+s3], $0x80, v19, vm0, $0xb8;
	[tilespmem:$0x1C800] =	vst v63  }
0x67: {  	v19 =	vld [tilespmem:$0x1C180];
	_ =	sdelay $0x4  }
0x68: {  	v20 =	vshll.u32 v19, $0x3  }
0x69: {  	v19 =	vand.u32 $0x7, v19;
	v20 =	vand.u32 $0xFFFFFFC0, v20  }
0x6a: {  	v19 =	vor.u32 v19, v20  }
0x6b: {  	v20 =	vperm.xlane v19, v16;
	_ =	sdelay $0x1  }
0x6c: {  	v20 =	vadd.s32 v17, v20;
	_ =	sdelay $0x4  }
0x6d: {  	[tilespmem:s25], [sflag:$0x4] =	stream.indirect_vreg.gather [hbm4b:s1+s3], $0x80, v20, vm0, $0xb8;
	[tilespmem:$0x1C800] =	vst v63  }
0x6e: {  	v19 =	vperm.xlane v19, v18  }
0x6f: {  	[tilespmem:s29], [sflag:$0x4] =	stream.indirect_vreg.gather [hbm4b:s5+s3], $0x80, v20, vm0, $0xb8;
	[tilespmem:$0x1C800] =	vst v63  }
0x70: {  	s17 =	simm.s32 $0xD000;
	v19 =	vadd.s32 v17, v19  }
0x71: {  	[tilespmem:s17], [sflag:$0x4] =	stream.indirect_vreg.gather [hbm4b:s6+s3], $0x80, v20, vm0, $0xb8;
	[tilespmem:$0x1C800] =	vst v63  }
0x72: {  	s18 =	simm.s32 $0xD800  }
0x73: {  	[tilespmem:s18], [sflag:$0x4] =	stream.indirect_vreg.gather [hbm4b:s7+s3], $0x80, v20, vm0, $0xb8;
	[tilespmem:$0x1C800] =	vst v63  }
0x74: {  	s19 =	simm.s32 $0xE000  }
0x75: {  	[tilespmem:s19], [sflag:$0x4] =	stream.indirect_vreg.gather [hbm4b:s1+s3], $0x80, v19, vm0, $0xb8;
	[tilespmem:$0x1C800] =	vst v63  }
0x76: {  	s19 =	simm.s32 $0xE800  }
0x77: {  	[tilespmem:s19], [sflag:$0x4] =	stream.indirect_vreg.gather [hbm4b:s5+s3], $0x80, v19, vm0, $0xb8;
	[tilespmem:$0x1C800] =	vst v63  }
0x78: {  	s19 =	simm.s32 $0xF000  }
0x79: {  	[tilespmem:s19], [sflag:$0x4] =	stream.indirect_vreg.gather [hbm4b:s6+s3], $0x80, v19, vm0, $0xb8;
	[tilespmem:$0x1C800] =	vst v63  }
0x7a: {  	s19 =	simm.s32 $0xF800  }
0x7b: {  	[tilespmem:s19], [sflag:$0x4] =	stream.indirect_vreg.gather [hbm4b:s7+s3], $0x80, v19, vm0, $0xb8;
	[tilespmem:$0x1C800] =	vst v63  }
0x7c: {  	v19 =	vld [tilespmem:$0x1C200];
	_ =	sdelay $0x4  }
0x7d: {  	v20 =	vshll.u32 v19, $0x3  }
0x7e: {  	v19 =	vand.u32 $0x7, v19;
	v20 =	vand.u32 $0xFFFFFFC0, v20  }
0x7f: {  	v19 =	vor.u32 v19, v20  }
0x80: {  	v20 =	vperm.xlane v19, v16;
	_ =	sdelay $0x1  }
0x81: {  	v20 =	vadd.s32 v17, v20;
	_ =	sdelay $0x4  }
0x82: {  	[tilespmem:s15], [sflag:$0x5] =	stream.indirect_vreg.gather [hbm4b:s1+s3], $0x80, v20, vm0, $0xb8;
	[tilespmem:$0x1C800] =	vst v63  }
0x83: {  	s19 =	simm.s32 $0x10800;
	v19 =	vperm.xlane v19, v18  }
0x84: {  	[tilespmem:s19], [sflag:$0x5] =	stream.indirect_vreg.gather [hbm4b:s5+s3], $0x80, v20, vm0, $0xb8;
	[tilespmem:$0x1C800] =	vst v63  }
0x85: {  	v19 =	vadd.s32 v17, v19;
	s19 =	simm.s32 $0x11000  }
0x86: {  	[tilespmem:s19], [sflag:$0x5] =	stream.indirect_vreg.gather [hbm4b:s6+s3], $0x80, v20, vm0, $0xb8;
	[tilespmem:$0x1C800] =	vst v63  }
0x87: {  	s19 =	simm.s32 $0x11800  }
0x88: {  	[tilespmem:s19], [sflag:$0x5] =	stream.indirect_vreg.gather [hbm4b:s7+s3], $0x80, v20, vm0, $0xb8;
	[tilespmem:$0x1C800] =	vst v63  }
0x89: {  	s19 =	simm.s32 $0x12000  }
0x8a: {  	[tilespmem:s19], [sflag:$0x5] =	stream.indirect_vreg.gather [hbm4b:s1+s3], $0x80, v19, vm0, $0xb8;
	[tilespmem:$0x1C800] =	vst v63  }
0x8b: {  	s19 =	simm.s32 $0x12800  }
0x8c: {  	[tilespmem:s19], [sflag:$0x5] =	stream.indirect_vreg.gather [hbm4b:s5+s3], $0x80, v19, vm0, $0xb8;
	[tilespmem:$0x1C800] =	vst v63  }
0x8d: {  	s19 =	simm.s32 $0x13000  }
0x8e: {  	[tilespmem:s19], [sflag:$0x5] =	stream.indirect_vreg.gather [hbm4b:s6+s3], $0x80, v19, vm0, $0xb8;
	[tilespmem:$0x1C800] =	vst v63  }
0x8f: {  	s19 =	simm.s32 $0x13800  }
0x90: {  	[tilespmem:s19], [sflag:$0x5] =	stream.indirect_vreg.gather [hbm4b:s7+s3], $0x80, v19, vm0, $0xb8;
	[tilespmem:$0x1C800] =	vst v63  }
0x91: {  	_ =	swait.ge [sflag:s14], $0x4000  }
0x92: {  	[sflag:s14] =	ssyncset.done $0x0  }
0x93: {  	s19 =	rddreg [dreg:$0x12];
	[sflag:s14] =	ssyncadd.s32 $0xFFFFC000  }
0x94: {  	[hbm4b:s19+s3] =	stream.linear.scatter [tilespmem:s3], [sflag:$0x8], $0x4000, $0x38;
	[tilespmem:$0x1C800] =	vst v63  }
0x95: {  	v19 =	vld [tilespmem:$0x1C280];
	_ =	sdelay $0x4  }
0x96: {  	v20 =	vshll.u32 v19, $0x3  }
0x97: {  	v19 =	vand.u32 $0x7, v19;
	v20 =	vand.u32 $0xFFFFFFC0, v20  }
0x98: {  	v19 =	vor.u32 v19, v20  }
0x99: {  	v20 =	vperm.xlane v19, v16;
	_ =	sdelay $0x1  }
0x9a: {  	v20 =	vadd.s32 v17, v20;
	_ =	sdelay $0x4  }
0x9b: {  	[tilespmem:s4], [sflag:$0x6] =	stream.indirect_vreg.gather [hbm4b:s1+s3], $0x80, v20, vm0, $0xb8;
	[tilespmem:$0x1C800] =	vst v63  }
0x9c: {  	s19 =	simm.s32 $0x14800;
	v19 =	vperm.xlane v19, v18  }
0x9d: {  	[tilespmem:s19], [sflag:$0x6] =	stream.indirect_vreg.gather [hbm4b:s5+s3], $0x80, v20, vm0, $0xb8;
	[tilespmem:$0x1C800] =	vst v63  }
0x9e: {  	v19 =	vadd.s32 v17, v19;
	s19 =	simm.s32 $0x15000  }
0x9f: {  	[tilespmem:s19], [sflag:$0x6] =	stream.indirect_vreg.gather [hbm4b:s6+s3], $0x80, v20, vm0, $0xb8;
	[tilespmem:$0x1C800] =	vst v63  }
0xa0: {  	s19 =	simm.s32 $0x15800  }
0xa1: {  	[tilespmem:s19], [sflag:$0x6] =	stream.indirect_vreg.gather [hbm4b:s7+s3], $0x80, v20, vm0, $0xb8;
	[tilespmem:$0x1C800] =	vst v63  }
0xa2: {  	s19 =	simm.s32 $0x16000  }
0xa3: {  	[tilespmem:s19], [sflag:$0x6] =	stream.indirect_vreg.gather [hbm4b:s1+s3], $0x80, v19, vm0, $0xb8;
	[tilespmem:$0x1C800] =	vst v63  }
0xa4: {  	s19 =	simm.s32 $0x16800  }
0xa5: {  	[tilespmem:s19], [sflag:$0x6] =	stream.indirect_vreg.gather [hbm4b:s5+s3], $0x80, v19, vm0, $0xb8;
	[tilespmem:$0x1C800] =	vst v63  }
0xa6: {  	s19 =	simm.s32 $0x17000  }
0xa7: {  	[tilespmem:s19], [sflag:$0x6] =	stream.indirect_vreg.gather [hbm4b:s6+s3], $0x80, v19, vm0, $0xb8;
	[tilespmem:$0x1C800] =	vst v63  }
0xa8: {  	s19 =	simm.s32 $0x17800  }
0xa9: {  	[tilespmem:s19], [sflag:$0x6] =	stream.indirect_vreg.gather [hbm4b:s7+s3], $0x80, v19, vm0, $0xb8;
	[tilespmem:$0x1C800] =	vst v63  }
0xaa: {  	_ =	swait.ge [sflag:s26], $0x4000  }
0xab: {  	[sflag:s26] =	ssyncset.done $0x0  }
0xac: {  	s2 =	rddreg [dreg:$0x3];
	[sflag:s26] =	ssyncadd.s32 $0xFFFFC000  }
0xad: {  	[hbm4b:s2+s3] =	stream.linear.scatter [tilespmem:s0], [sflag:$0x9], $0x4000, $0x38;
	[tilespmem:$0x1C800] =	vst v63  }
0xae: {  	v19 =	vld [tilespmem:$0x1C300];
	_ =	sdelay $0x4  }
0xaf: {  	v20 =	vshll.u32 v19, $0x3  }
0xb0: {  	v19 =	vand.u32 $0x7, v19;
	v20 =	vand.u32 $0xFFFFFFC0, v20  }
0xb1: {  	v19 =	vor.u32 v19, v20  }
0xb2: {  	v20 =	vperm.xlane v19, v16;
	_ =	sdelay $0x1  }
0xb3: {  	v20 =	vadd.s32 v17, v20;
	_ =	sdelay $0x3  }
0xb4: {  	s2 =	simm.s32 $0x18000  }
0xb5: {  	[tilespmem:s2], [sflag:$0x7] =	stream.indirect_vreg.gather [hbm4b:s1+s3], $0x80, v20, vm0, $0xb8;
	[tilespmem:$0x1C800] =	vst v63  }
0xb6: {  	s19 =	simm.s32 $0x18800;
	v19 =	vperm.xlane v19, v18  }
0xb7: {  	[tilespmem:s19], [sflag:$0x7] =	stream.indirect_vreg.gather [hbm4b:s5+s3], $0x80, v20, vm0, $0xb8;
	[tilespmem:$0x1C800] =	vst v63  }
0xb8: {  	v19 =	vadd.s32 v17, v19;
	s19 =	simm.s32 $0x19000  }
0xb9: {  	[tilespmem:s19], [sflag:$0x7] =	stream.indirect_vreg.gather [hbm4b:s6+s3], $0x80, v20, vm0, $0xb8;
	[tilespmem:$0x1C800] =	vst v63  }
0xba: {  	s19 =	simm.s32 $0x19800  }
0xbb: {  	[tilespmem:s19], [sflag:$0x7] =	stream.indirect_vreg.gather [hbm4b:s7+s3], $0x80, v20, vm0, $0xb8;
	[tilespmem:$0x1C800] =	vst v63  }
0xbc: {  	s19 =	simm.s32 $0x1A000  }
0xbd: {  	[tilespmem:s19], [sflag:$0x7] =	stream.indirect_vreg.gather [hbm4b:s1+s3], $0x80, v19, vm0, $0xb8;
	[tilespmem:$0x1C800] =	vst v63  }
0xbe: {  	s19 =	simm.s32 $0x1A800  }
0xbf: {  	[tilespmem:s19], [sflag:$0x7] =	stream.indirect_vreg.gather [hbm4b:s5+s3], $0x80, v19, vm0, $0xb8;
	[tilespmem:$0x1C800] =	vst v63  }
0xc0: {  	s19 =	simm.s32 $0x1B000  }
0xc1: {  	[tilespmem:s19], [sflag:$0x7] =	stream.indirect_vreg.gather [hbm4b:s6+s3], $0x80, v19, vm0, $0xb8;
	[tilespmem:$0x1C800] =	vst v63  }
0xc2: {  	s19 =	simm.s32 $0x1B800  }
0xc3: {  	[tilespmem:s19], [sflag:$0x7] =	stream.indirect_vreg.gather [hbm4b:s7+s3], $0x80, v19, vm0, $0xb8;
	[tilespmem:$0x1C800] =	vst v63  }
0xc4: {  	_ =	swait.ge [sflag:s28], $0x4000  }
0xc5: {  	[sflag:s28] =	ssyncset.done $0x0  }
0xc6: {  	s19 =	rddreg [dreg:$0x4];
	[sflag:s28] =	ssyncadd.s32 $0xFFFFC000  }
0xc7: {  	[hbm4b:s19+s3] =	stream.linear.scatter [tilespmem:s10], [sflag:$0xA], $0x4000, $0x38;
	[tilespmem:$0x1C800] =	vst v63  }
0xc8: {  	_ =	swait.ge [sflag:s31], $0x4000  }
0xc9: {  	[sflag:s31] =	ssyncset.done $0x0  }
0xca: {  	[sflag:s31] =	ssyncadd.s32 $0xFFFFC000  }
0xcb: {  	v19 =	vld [tilespmem:$0x1C380];
	_ =	sdelay $0x4  }
0xcc: {  	v20 =	vshll.u32 v19, $0x3  }
0xcd: {  	v19 =	vand.u32 $0x7, v19;
	v20 =	vand.u32 $0xFFFFFFC0, v20  }
0xce: {  	v19 =	vor.u32 v19, v20  }
0xcf: {  	v20 =	vperm.xlane v19, v16;
	_ =	sdelay $0x1  }
0xd0: {  	v20 =	vadd.s32 v17, v20;
	_ =	sdelay $0x4  }
0xd1: {  	[tilespmem:s3], [sflag:$0x1] =	stream.indirect_vreg.gather [hbm4b:s1+s3], $0x80, v20, vm0, $0xb8;
	[tilespmem:$0x1C800] =	vst v63  }
0xd2: {  	s11 =	simm.s32 $0x800;
	v19 =	vperm.xlane v19, v18  }
0xd3: {  	[tilespmem:s11], [sflag:$0x1] =	stream.indirect_vreg.gather [hbm4b:s5+s3], $0x80, v20, vm0, $0xb8;
	[tilespmem:$0x1C800] =	vst v63  }
0xd4: {  	s19 =	simm.s32 $0x1000;
	v19 =	vadd.s32 v17, v19  }
0xd5: {  	[tilespmem:s19], [sflag:$0x1] =	stream.indirect_vreg.gather [hbm4b:s6+s3], $0x80, v20, vm0, $0xb8;
	[tilespmem:$0x1C800] =	vst v63  }
0xd6: {  	s19 =	simm.s32 $0x1800  }
0xd7: {  	[tilespmem:s19], [sflag:$0x1] =	stream.indirect_vreg.gather [hbm4b:s7+s3], $0x80, v20, vm0, $0xb8;
	[tilespmem:$0x1C800] =	vst v63  }
0xd8: {  	s13 =	simm.s32 $0x2000  }
0xd9: {  	[tilespmem:s13], [sflag:$0x1] =	stream.indirect_vreg.gather [hbm4b:s1+s3], $0x80, v19, vm0, $0xb8;
	[tilespmem:$0x1C800] =	vst v63  }
0xda: {  	s13 =	simm.s32 $0x2800  }
0xdb: {  	[tilespmem:s13], [sflag:$0x1] =	stream.indirect_vreg.gather [hbm4b:s5+s3], $0x80, v19, vm0, $0xb8;
	[tilespmem:$0x1C800] =	vst v63  }
0xdc: {  	s19 =	simm.s32 $0x3000  }
0xdd: {  	[tilespmem:s19], [sflag:$0x1] =	stream.indirect_vreg.gather [hbm4b:s6+s3], $0x80, v19, vm0, $0xb8;
	[tilespmem:$0x1C800] =	vst v63  }
0xde: {  	s12 =	simm.s32 $0x3800;
	s11 =	simm.s32 $0x4  }
0xdf: {  	[tilespmem:s12], [sflag:$0x1] =	stream.indirect_vreg.gather [hbm4b:s7+s3], $0x80, v19, vm0, $0xb8;
	[tilespmem:$0x1C800] =	vst v63  }
0xe0: {  	_ =	swait.ge [sflag:s11], $0x4000  }
0xe1: {  	[sflag:s11] =	ssyncset.done $0x0  }
0xe2: {  	s13 =	rddreg [dreg:$0x5];
	[sflag:s11] =	ssyncadd.s32 $0xFFFFC000  }
0xe3: {  	[hbm4b:s13+s3] =	stream.linear.scatter [tilespmem:s25], [sflag:$0xB], $0x4000, $0x38;
	[tilespmem:$0x1C800] =	vst v63  }
0xe4: {  	_ =	swait.ge [sflag:s9], $0x4000  }
0xe5: {  	[sflag:s9] =	ssyncset.done $0x0  }
0xe6: {  	[sflag:s9] =	ssyncadd.s32 $0xFFFFC000  }
0xe7: {  	v19 =	vld [tilespmem:$0x1C400];
	_ =	sdelay $0x4  }
0xe8: {  	v20 =	vshll.u32 v19, $0x3  }
0xe9: {  	v19 =	vand.u32 $0x7, v19;
	v20 =	vand.u32 $0xFFFFFFC0, v20  }
0xea: {  	v19 =	vor.u32 v19, v20  }
0xeb: {  	v20 =	vperm.xlane v19, v16;
	_ =	sdelay $0x1  }
0xec: {  	v20 =	vadd.s32 v17, v20;
	_ =	sdelay $0x4  }
0xed: {  	[tilespmem:s0], [sflag:$0x2] =	stream.indirect_vreg.gather [hbm4b:s1+s3], $0x80, v20, vm0, $0xb8;
	[tilespmem:$0x1C800] =	vst v63  }
0xee: {  	s19 =	simm.s32 $0x4800;
	v19 =	vperm.xlane v19, v18  }
0xef: {  	[tilespmem:s19], [sflag:$0x2] =	stream.indirect_vreg.gather [hbm4b:s5+s3], $0x80, v20, vm0, $0xb8;
	[tilespmem:$0x1C800] =	vst v63  }
0xf0: {  	s13 =	simm.s32 $0x5000;
	v19 =	vadd.s32 v17, v19  }
0xf1: {  	[tilespmem:s13], [sflag:$0x2] =	stream.indirect_vreg.gather [hbm4b:s6+s3], $0x80, v20, vm0, $0xb8;
	[tilespmem:$0x1C800] =	vst v63  }
0xf2: {  	s19 =	simm.s32 $0x5800  }
0xf3: {  	[tilespmem:s19], [sflag:$0x2] =	stream.indirect_vreg.gather [hbm4b:s7+s3], $0x80, v20, vm0, $0xb8;
	[tilespmem:$0x1C800] =	vst v63  }
0xf4: {  	s13 =	simm.s32 $0x6000  }
0xf5: {  	[tilespmem:s13], [sflag:$0x2] =	stream.indirect_vreg.gather [hbm4b:s1+s3], $0x80, v19, vm0, $0xb8;
	[tilespmem:$0x1C800] =	vst v63  }
0xf6: {  	s19 =	simm.s32 $0x6800  }
0xf7: {  	[tilespmem:s19], [sflag:$0x2] =	stream.indirect_vreg.gather [hbm4b:s5+s3], $0x80, v19, vm0, $0xb8;
	[tilespmem:$0x1C800] =	vst v63  }
0xf8: {  	s13 =	simm.s32 $0x7000  }
0xf9: {  	[tilespmem:s13], [sflag:$0x2] =	stream.indirect_vreg.gather [hbm4b:s6+s3], $0x80, v19, vm0, $0xb8;
	[tilespmem:$0x1C800] =	vst v63  }
0xfa: {  	s12 =	simm.s32 $0x5;
	s19 =	simm.s32 $0x7800  }
0xfb: {  	[tilespmem:s19], [sflag:$0x2] =	stream.indirect_vreg.gather [hbm4b:s7+s3], $0x80, v19, vm0, $0xb8;
	[tilespmem:$0x1C800] =	vst v63  }
0xfc: {  	_ =	swait.ge [sflag:s12], $0x4000  }
0xfd: {  	[sflag:s12] =	ssyncset.done $0x0  }
0xfe: {  	s13 =	rddreg [dreg:$0x6];
	[sflag:s12] =	ssyncadd.s32 $0xFFFFC000  }
0xff: {  	[hbm4b:s13+s3] =	stream.linear.scatter [tilespmem:s15], [sflag:$0xC], $0x4000, $0x38;
	[tilespmem:$0x1C800] =	vst v63  }
0x100: {  	s13 =	simm.s32 $0xA  }
0x101: {  	_ =	swait.ge [sflag:s13], $0x4000  }
0x102: {  	[sflag:s13] =	ssyncset.done $0x0  }
0x103: {  	[sflag:s13] =	ssyncadd.s32 $0xFFFFC000  }
0x104: {  	v19 =	vld [tilespmem:$0x1C480];
	_ =	sdelay $0x4  }
0x105: {  	v20 =	vshll.u32 v19, $0x3  }
0x106: {  	v19 =	vand.u32 $0x7, v19;
	v20 =	vand.u32 $0xFFFFFFC0, v20  }
0x107: {  	v19 =	vor.u32 v19, v20  }
0x108: {  	v20 =	vperm.xlane v19, v16;
	_ =	sdelay $0x1  }
0x109: {  	v20 =	vadd.s32 v17, v20;
	_ =	sdelay $0x4  }
0x10a: {  	[tilespmem:s10], [sflag:$0x3] =	stream.indirect_vreg.gather [hbm4b:s1+s3], $0x80, v20, vm0, $0xb8;
	[tilespmem:$0x1C800] =	vst v63  }
0x10b: {  	v19 =	vperm.xlane v19, v18  }
0x10c: {  	[tilespmem:s16], [sflag:$0x3] =	stream.indirect_vreg.gather [hbm4b:s5+s3], $0x80, v20, vm0, $0xb8;
	[tilespmem:$0x1C800] =	vst v63  }
0x10d: {  	v19 =	vadd.s32 v17, v19  }
0x10e: {  	[tilespmem:s30], [sflag:$0x3] =	stream.indirect_vreg.gather [hbm4b:s6+s3], $0x80, v20, vm0, $0xb8;
	[tilespmem:$0x1C800] =	vst v63  }
0x10f: {  	_ = 	snop  }
0x110: {  	[tilespmem:s20], [sflag:$0x3] =	stream.indirect_vreg.gather [hbm4b:s7+s3], $0x80, v20, vm0, $0xb8;
	[tilespmem:$0x1C800] =	vst v63  }
0x111: {  	_ = 	snop  }
0x112: {  	[tilespmem:s21], [sflag:$0x3] =	stream.indirect_vreg.gather [hbm4b:s1+s3], $0x80, v19, vm0, $0xb8;
	[tilespmem:$0x1C800] =	vst v63  }
0x113: {  	_ = 	snop  }
0x114: {  	[tilespmem:s22], [sflag:$0x3] =	stream.indirect_vreg.gather [hbm4b:s5+s3], $0x80, v19, vm0, $0xb8;
	[tilespmem:$0x1C800] =	vst v63  }
0x115: {  	_ = 	snop  }
0x116: {  	[tilespmem:s23], [sflag:$0x3] =	stream.indirect_vreg.gather [hbm4b:s6+s3], $0x80, v19, vm0, $0xb8;
	[tilespmem:$0x1C800] =	vst v63  }
0x117: {  	s16 =	simm.s32 $0x6  }
0x118: {  	[tilespmem:s24], [sflag:$0x3] =	stream.indirect_vreg.gather [hbm4b:s7+s3], $0x80, v19, vm0, $0xb8;
	[tilespmem:$0x1C800] =	vst v63  }
0x119: {  	_ =	swait.ge [sflag:s16], $0x4000  }
0x11a: {  	[sflag:s16] =	ssyncset.done $0x0  }
0x11b: {  	s20 =	rddreg [dreg:$0x7];
	[sflag:s16] =	ssyncadd.s32 $0xFFFFC000  }
0x11c: {  	[hbm4b:s20+s3] =	stream.linear.scatter [tilespmem:s4], [sflag:$0xD], $0x4000, $0x38;
	[tilespmem:$0x1C800] =	vst v63  }
0x11d: {  	s20 =	simm.s32 $0xB  }
0x11e: {  	_ =	swait.ge [sflag:s20], $0x4000  }
0x11f: {  	[sflag:s20] =	ssyncset.done $0x0  }
0x120: {  	[sflag:s20] =	ssyncadd.s32 $0xFFFFC000  }
0x121: {  	v19 =	vld [tilespmem:$0x1C500];
	_ =	sdelay $0x4  }
0x122: {  	v20 =	vshll.u32 v19, $0x3  }
0x123: {  	v19 =	vand.u32 $0x7, v19;
	v20 =	vand.u32 $0xFFFFFFC0, v20  }
0x124: {  	v19 =	vor.u32 v19, v20  }
0x125: {  	v20 =	vperm.xlane v19, v16;
	_ =	sdelay $0x1  }
0x126: {  	v20 =	vadd.s32 v17, v20;
	_ =	sdelay $0x4  }
0x127: {  	[tilespmem:s25], [sflag:$0x4] =	stream.indirect_vreg.gather [hbm4b:s1+s3], $0x80, v20, vm0, $0xb8;
	[tilespmem:$0x1C800] =	vst v63  }
0x128: {  	v19 =	vperm.xlane v19, v18  }
0x129: {  	[tilespmem:s29], [sflag:$0x4] =	stream.indirect_vreg.gather [hbm4b:s5+s3], $0x80, v20, vm0, $0xb8;
	[tilespmem:$0x1C800] =	vst v63  }
0x12a: {  	v19 =	vadd.s32 v17, v19  }
0x12b: {  	[tilespmem:s17], [sflag:$0x4] =	stream.indirect_vreg.gather [hbm4b:s6+s3], $0x80, v20, vm0, $0xb8;
	[tilespmem:$0x1C800] =	vst v63  }
0x12c: {  	_ = 	snop  }
0x12d: {  	[tilespmem:s18], [sflag:$0x4] =	stream.indirect_vreg.gather [hbm4b:s7+s3], $0x80, v20, vm0, $0xb8;
	[tilespmem:$0x1C800] =	vst v63  }
0x12e: {  	s21 =	simm.s32 $0xE000  }
0x12f: {  	[tilespmem:s21], [sflag:$0x4] =	stream.indirect_vreg.gather [hbm4b:s1+s3], $0x80, v19, vm0, $0xb8;
	[tilespmem:$0x1C800] =	vst v63  }
0x130: {  	s22 =	simm.s32 $0xE800  }
0x131: {  	[tilespmem:s22], [sflag:$0x4] =	stream.indirect_vreg.gather [hbm4b:s5+s3], $0x80, v19, vm0, $0xb8;
	[tilespmem:$0x1C800] =	vst v63  }
0x132: {  	s18 =	simm.s32 $0xF000  }
0x133: {  	[tilespmem:s18], [sflag:$0x4] =	stream.indirect_vreg.gather [hbm4b:s6+s3], $0x80, v19, vm0, $0xb8;
	[tilespmem:$0x1C800] =	vst v63  }
0x134: {  	s19 =	simm.s32 $0xF800;
	s17 =	simm.s32 $0x7  }
0x135: {  	[tilespmem:s19], [sflag:$0x4] =	stream.indirect_vreg.gather [hbm4b:s7+s3], $0x80, v19, vm0, $0xb8;
	[tilespmem:$0x1C800] =	vst v63  }
0x136: {  	_ =	swait.ge [sflag:s17], $0x4000  }
0x137: {  	[sflag:s17] =	ssyncset.done $0x0  }
0x138: {  	s18 =	simm.s32 $0xC;
	s21 =	rddreg [dreg:$0x8];
	[sflag:s17] =	ssyncadd.s32 $0xFFFFC000  }
0x139: {  	[hbm4b:s21+s3] =	stream.linear.scatter [tilespmem:s2], [sflag:$0xE], $0x4000, $0x38;
	[tilespmem:$0x1C800] =	vst v63  }
0x13a: {  	_ =	swait.ge [sflag:s18], $0x4000  }
0x13b: {  	[sflag:s18] =	ssyncset.done $0x0  }
0x13c: {  	[sflag:s18] =	ssyncadd.s32 $0xFFFFC000  }
0x13d: {  	v19 =	vld [tilespmem:$0x1C580];
	_ =	sdelay $0x4  }
0x13e: {  	v20 =	vshll.u32 v19, $0x3  }
0x13f: {  	v19 =	vand.u32 $0x7, v19;
	v20 =	vand.u32 $0xFFFFFFC0, v20  }
0x140: {  	v19 =	vor.u32 v19, v20  }
0x141: {  	v20 =	vperm.xlane v19, v16;
	_ =	sdelay $0x1  }
0x142: {  	v20 =	vadd.s32 v17, v20;
	_ =	sdelay $0x4  }
0x143: {  	[tilespmem:s15], [sflag:$0x5] =	stream.indirect_vreg.gather [hbm4b:s1+s3], $0x80, v20, vm0, $0xb8;
	[tilespmem:$0x1C800] =	vst v63  }
0x144: {  	s22 =	simm.s32 $0x10800;
	v19 =	vperm.xlane v19, v18  }
0x145: {  	[tilespmem:s22], [sflag:$0x5] =	stream.indirect_vreg.gather [hbm4b:s5+s3], $0x80, v20, vm0, $0xb8;
	[tilespmem:$0x1C800] =	vst v63  }
0x146: {  	s21 =	simm.s32 $0x11000;
	v19 =	vadd.s32 v17, v19  }
0x147: {  	[tilespmem:s21], [sflag:$0x5] =	stream.indirect_vreg.gather [hbm4b:s6+s3], $0x80, v20, vm0, $0xb8;
	[tilespmem:$0x1C800] =	vst v63  }
0x148: {  	s22 =	simm.s32 $0x11800  }
0x149: {  	[tilespmem:s22], [sflag:$0x5] =	stream.indirect_vreg.gather [hbm4b:s7+s3], $0x80, v20, vm0, $0xb8;
	[tilespmem:$0x1C800] =	vst v63  }
0x14a: {  	s21 =	simm.s32 $0x12000  }
0x14b: {  	[tilespmem:s21], [sflag:$0x5] =	stream.indirect_vreg.gather [hbm4b:s1+s3], $0x80, v19, vm0, $0xb8;
	[tilespmem:$0x1C800] =	vst v63  }
0x14c: {  	s22 =	simm.s32 $0x12800  }
0x14d: {  	[tilespmem:s22], [sflag:$0x5] =	stream.indirect_vreg.gather [hbm4b:s5+s3], $0x80, v19, vm0, $0xb8;
	[tilespmem:$0x1C800] =	vst v63  }
0x14e: {  	s21 =	simm.s32 $0x13000  }
0x14f: {  	[tilespmem:s21], [sflag:$0x5] =	stream.indirect_vreg.gather [hbm4b:s6+s3], $0x80, v19, vm0, $0xb8;
	[tilespmem:$0x1C800] =	vst v63  }
0x150: {  	s22 =	simm.s32 $0x13800  }
0x151: {  	[tilespmem:s22], [sflag:$0x5] =	stream.indirect_vreg.gather [hbm4b:s7+s3], $0x80, v19, vm0, $0xb8;
	[tilespmem:$0x1C800] =	vst v63  }
0x152: {  	_ =	swait.ge [sflag:s14], $0x4000  }
0x153: {  	[sflag:s14] =	ssyncset.done $0x0  }
0x154: {  	s21 =	rddreg [dreg:$0x9];
	[sflag:s14] =	ssyncadd.s32 $0xFFFFC000  }
0x155: {  	[hbm4b:s21+s3] =	stream.linear.scatter [tilespmem:s3], [sflag:$0x8], $0x4000, $0x38;
	[tilespmem:$0x1C800] =	vst v63  }
0x156: {  	s21 =	simm.s32 $0xD  }
0x157: {  	_ =	swait.ge [sflag:s21], $0x4000  }
0x158: {  	[sflag:s21] =	ssyncset.done $0x0  }
0x159: {  	[sflag:s21] =	ssyncadd.s32 $0xFFFFC000  }
0x15a: {  	v19 =	vld [tilespmem:$0x1C600];
	_ =	sdelay $0x4  }
0x15b: {  	v20 =	vshll.u32 v19, $0x3  }
0x15c: {  	v19 =	vand.u32 $0x7, v19;
	v20 =	vand.u32 $0xFFFFFFC0, v20  }
0x15d: {  	v19 =	vor.u32 v19, v20  }
0x15e: {  	v20 =	vperm.xlane v19, v16;
	_ =	sdelay $0x1  }
0x15f: {  	v20 =	vadd.s32 v17, v20;
	_ =	sdelay $0x4  }
0x160: {  	[tilespmem:s4], [sflag:$0x6] =	stream.indirect_vreg.gather [hbm4b:s1+s3], $0x80, v20, vm0, $0xb8;
	[tilespmem:$0x1C800] =	vst v63  }
0x161: {  	s22 =	simm.s32 $0x14800;
	v19 =	vperm.xlane v19, v18  }
0x162: {  	[tilespmem:s22], [sflag:$0x6] =	stream.indirect_vreg.gather [hbm4b:s5+s3], $0x80, v20, vm0, $0xb8;
	[tilespmem:$0x1C800] =	vst v63  }
0x163: {  	v19 =	vadd.s32 v17, v19;
	s22 =	simm.s32 $0x15000  }
0x164: {  	[tilespmem:s22], [sflag:$0x6] =	stream.indirect_vreg.gather [hbm4b:s6+s3], $0x80, v20, vm0, $0xb8;
	[tilespmem:$0x1C800] =	vst v63  }
0x165: {  	s22 =	simm.s32 $0x15800  }
0x166: {  	[tilespmem:s22], [sflag:$0x6] =	stream.indirect_vreg.gather [hbm4b:s7+s3], $0x80, v20, vm0, $0xb8;
	[tilespmem:$0x1C800] =	vst v63  }
0x167: {  	s22 =	simm.s32 $0x16000  }
0x168: {  	[tilespmem:s22], [sflag:$0x6] =	stream.indirect_vreg.gather [hbm4b:s1+s3], $0x80, v19, vm0, $0xb8;
	[tilespmem:$0x1C800] =	vst v63  }
0x169: {  	s22 =	simm.s32 $0x16800  }
0x16a: {  	[tilespmem:s22], [sflag:$0x6] =	stream.indirect_vreg.gather [hbm4b:s5+s3], $0x80, v19, vm0, $0xb8;
	[tilespmem:$0x1C800] =	vst v63  }
0x16b: {  	s22 =	simm.s32 $0x17000  }
0x16c: {  	[tilespmem:s22], [sflag:$0x6] =	stream.indirect_vreg.gather [hbm4b:s6+s3], $0x80, v19, vm0, $0xb8;
	[tilespmem:$0x1C800] =	vst v63  }
0x16d: {  	s22 =	simm.s32 $0x17800  }
0x16e: {  	[tilespmem:s22], [sflag:$0x6] =	stream.indirect_vreg.gather [hbm4b:s7+s3], $0x80, v19, vm0, $0xb8;
	[tilespmem:$0x1C800] =	vst v63  }
0x16f: {  	_ =	swait.ge [sflag:s26], $0x4000  }
0x170: {  	[sflag:s26] =	ssyncset.done $0x0  }
0x171: {  	s22 =	rddreg [dreg:$0xa];
	[sflag:s26] =	ssyncadd.s32 $0xFFFFC000  }
0x172: {  	[hbm4b:s22+s3] =	stream.linear.scatter [tilespmem:s0], [sflag:$0x9], $0x4000, $0x38;
	[tilespmem:$0x1C800] =	vst v63  }
0x173: {  	s22 =	simm.s32 $0xE  }
0x174: {  	_ =	swait.ge [sflag:s22], $0x4000  }
0x175: {  	[sflag:s22] =	ssyncset.done $0x0  }
0x176: {  	[sflag:s22] =	ssyncadd.s32 $0xFFFFC000  }
0x177: {  	v19 =	vld [tilespmem:$0x1C680];
	_ =	sdelay $0x4  }
0x178: {  	v20 =	vshll.u32 v19, $0x3  }
0x179: {  	v19 =	vand.u32 $0x7, v19;
	v20 =	vand.u32 $0xFFFFFFC0, v20  }
0x17a: {  	v19 =	vor.u32 v19, v20  }
0x17b: {  	v20 =	vperm.xlane v19, v16;
	_ =	sdelay $0x1  }
0x17c: {  	v20 =	vadd.s32 v17, v20;
	_ =	sdelay $0x4  }
0x17d: {  	[tilespmem:s2], [sflag:$0x7] =	stream.indirect_vreg.gather [hbm4b:s1+s3], $0x80, v20, vm0, $0xb8;
	[tilespmem:$0x1C800] =	vst v63  }
0x17e: {  	s19 =	simm.s32 $0x18800;
	v19 =	vperm.xlane v19, v18  }
0x17f: {  	[tilespmem:s19], [sflag:$0x7] =	stream.indirect_vreg.gather [hbm4b:s5+s3], $0x80, v20, vm0, $0xb8;
	[tilespmem:$0x1C800] =	vst v63  }
0x180: {  	v19 =	vadd.s32 v17, v19;
	s19 =	simm.s32 $0x19000  }
0x181: {  	[tilespmem:s19], [sflag:$0x7] =	stream.indirect_vreg.gather [hbm4b:s6+s3], $0x80, v20, vm0, $0xb8;
	[tilespmem:$0x1C800] =	vst v63  }
0x182: {  	s19 =	simm.s32 $0x19800  }
0x183: {  	[tilespmem:s19], [sflag:$0x7] =	stream.indirect_vreg.gather [hbm4b:s7+s3], $0x80, v20, vm0, $0xb8;
	[tilespmem:$0x1C800] =	vst v63  }
0x184: {  	s19 =	simm.s32 $0x1A000  }
0x185: {  	[tilespmem:s19], [sflag:$0x7] =	stream.indirect_vreg.gather [hbm4b:s1+s3], $0x80, v19, vm0, $0xb8;
	[tilespmem:$0x1C800] =	vst v63  }
0x186: {  	s19 =	simm.s32 $0x1A800  }
0x187: {  	[tilespmem:s19], [sflag:$0x7] =	stream.indirect_vreg.gather [hbm4b:s5+s3], $0x80, v19, vm0, $0xb8;
	[tilespmem:$0x1C800] =	vst v63  }
0x188: {  	s19 =	simm.s32 $0x1B000  }
0x189: {  	[tilespmem:s19], [sflag:$0x7] =	stream.indirect_vreg.gather [hbm4b:s6+s3], $0x80, v19, vm0, $0xb8;
	[tilespmem:$0x1C800] =	vst v63  }
0x18a: {  	s19 =	simm.s32 $0x1B800  }
0x18b: {  	[tilespmem:s19], [sflag:$0x7] =	stream.indirect_vreg.gather [hbm4b:s7+s3], $0x80, v19, vm0, $0xb8;
	[tilespmem:$0x1C800] =	vst v63  }
0x18c: {  	_ =	swait.ge [sflag:s28], $0x4000  }
0x18d: {  	[sflag:s28] =	ssyncset.done $0x0  }
0x18e: {  	s19 =	rddreg [dreg:$0xb];
	[sflag:s28] =	ssyncadd.s32 $0xFFFFC000  }
0x18f: {  	[hbm4b:s19+s3] =	stream.linear.scatter [tilespmem:s10], [sflag:$0xA], $0x4000, $0x38;
	[tilespmem:$0x1C800] =	vst v63  }
0x190: {  	_ =	swait.ge [sflag:s31], $0x4000  }
0x191: {  	[sflag:s31] =	ssyncset.done $0x0  }
0x192: {  	[sflag:s31] =	ssyncadd.s32 $0xFFFFC000  }
0x193: {  	v19 =	vld [tilespmem:$0x1C700];
	_ =	sdelay $0x4  }
0x194: {  	v20 =	vshll.u32 v19, $0x3  }
0x195: {  	v19 =	vand.u32 $0x7, v19;
	v20 =	vand.u32 $0xFFFFFFC0, v20  }
0x196: {  	v19 =	vor.u32 v19, v20  }
0x197: {  	v20 =	vperm.xlane v19, v16;
	_ =	sdelay $0x1  }
0x198: {  	v20 =	vadd.s32 v17, v20;
	_ =	sdelay $0x4  }
0x199: {  	[tilespmem:s3], [sflag:$0x1] =	stream.indirect_vreg.gather [hbm4b:s1+s3], $0x80, v20, vm0, $0xb8;
	[tilespmem:$0x1C800] =	vst v63  }
0x19a: {  	s19 =	simm.s32 $0x800;
	v19 =	vperm.xlane v19, v18  }
0x19b: {  	[tilespmem:s19], [sflag:$0x1] =	stream.indirect_vreg.gather [hbm4b:s5+s3], $0x80, v20, vm0, $0xb8;
	[tilespmem:$0x1C800] =	vst v63  }
0x19c: {  	v19 =	vadd.s32 v17, v19;
	s19 =	simm.s32 $0x1000  }
0x19d: {  	[tilespmem:s19], [sflag:$0x1] =	stream.indirect_vreg.gather [hbm4b:s6+s3], $0x80, v20, vm0, $0xb8;
	[tilespmem:$0x1C800] =	vst v63  }
0x19e: {  	s19 =	simm.s32 $0x1800  }
0x19f: {  	[tilespmem:s19], [sflag:$0x1] =	stream.indirect_vreg.gather [hbm4b:s7+s3], $0x80, v20, vm0, $0xb8;
	[tilespmem:$0x1C800] =	vst v63  }
0x1a0: {  	s19 =	simm.s32 $0x2000  }
0x1a1: {  	[tilespmem:s19], [sflag:$0x1] =	stream.indirect_vreg.gather [hbm4b:s1+s3], $0x80, v19, vm0, $0xb8;
	[tilespmem:$0x1C800] =	vst v63  }
0x1a2: {  	s19 =	simm.s32 $0x2800  }
0x1a3: {  	[tilespmem:s19], [sflag:$0x1] =	stream.indirect_vreg.gather [hbm4b:s5+s3], $0x80, v19, vm0, $0xb8;
	[tilespmem:$0x1C800] =	vst v63  }
0x1a4: {  	s19 =	simm.s32 $0x3000  }
0x1a5: {  	[tilespmem:s19], [sflag:$0x1] =	stream.indirect_vreg.gather [hbm4b:s6+s3], $0x80, v19, vm0, $0xb8;
	[tilespmem:$0x1C800] =	vst v63  }
0x1a6: {  	s19 =	simm.s32 $0x3800  }
0x1a7: {  	[tilespmem:s19], [sflag:$0x1] =	stream.indirect_vreg.gather [hbm4b:s7+s3], $0x80, v19, vm0, $0xb8;
	[tilespmem:$0x1C800] =	vst v63  }
0x1a8: {  	_ =	swait.ge [sflag:s11], $0x4000  }
0x1a9: {  	[sflag:s11] =	ssyncset.done $0x0  }
0x1aa: {  	s10 =	rddreg [dreg:$0xc];
	[sflag:s11] =	ssyncadd.s32 $0xFFFFC000  }
0x1ab: {  	[hbm4b:s10+s3] =	stream.linear.scatter [tilespmem:s25], [sflag:$0xB], $0x4000, $0x38;
	[tilespmem:$0x1C800] =	vst v63  }
0x1ac: {  	_ =	swait.ge [sflag:s9], $0x4000  }
0x1ad: {  	[sflag:s9] =	ssyncset.done $0x0  }
0x1ae: {  	[sflag:s9] =	ssyncadd.s32 $0xFFFFC000  }
0x1af: {  	v19 =	vld [tilespmem:$0x1C780];
	_ =	sdelay $0x4  }
0x1b0: {  	v20 =	vshll.u32 v19, $0x3  }
0x1b1: {  	v19 =	vand.u32 $0x7, v19;
	v20 =	vand.u32 $0xFFFFFFC0, v20  }
0x1b2: {  	v19 =	vor.u32 v19, v20  }
0x1b3: {  	v20 =	vperm.xlane v19, v16;
	_ =	sdelay $0x1  }
0x1b4: {  	v20 =	vadd.s32 v17, v20;
	_ =	sdelay $0x4  }
0x1b5: {  	[tilespmem:s0], [sflag:$0x2] =	stream.indirect_vreg.gather [hbm4b:s1+s3], $0x80, v20, vm0, $0xb8;
	[tilespmem:$0x1C800] =	vst v63  }
0x1b6: {  	s19 =	simm.s32 $0x4800;
	v19 =	vperm.xlane v19, v18  }
0x1b7: {  	[tilespmem:s19], [sflag:$0x2] =	stream.indirect_vreg.gather [hbm4b:s5+s3], $0x80, v20, vm0, $0xb8;
	[tilespmem:$0x1C800] =	vst v63  }
0x1b8: {  	s11 =	simm.s32 $0x5000;
	v19 =	vadd.s32 v17, v19  }
0x1b9: {  	[tilespmem:s11], [sflag:$0x2] =	stream.indirect_vreg.gather [hbm4b:s6+s3], $0x80, v20, vm0, $0xb8;
	[tilespmem:$0x1C800] =	vst v63  }
0x1ba: {  	s19 =	simm.s32 $0x5800  }
0x1bb: {  	[tilespmem:s19], [sflag:$0x2] =	stream.indirect_vreg.gather [hbm4b:s7+s3], $0x80, v20, vm0, $0xb8;
	[tilespmem:$0x1C800] =	vst v63  }
0x1bc: {  	s11 =	simm.s32 $0x6000  }
0x1bd: {  	[tilespmem:s11], [sflag:$0x2] =	stream.indirect_vreg.gather [hbm4b:s1+s3], $0x80, v19, vm0, $0xb8;
	[tilespmem:$0x1C800] =	vst v63  }
0x1be: {  	s19 =	simm.s32 $0x6800  }
0x1bf: {  	[tilespmem:s19], [sflag:$0x2] =	stream.indirect_vreg.gather [hbm4b:s5+s3], $0x80, v19, vm0, $0xb8;
	[tilespmem:$0x1C800] =	vst v63  }
0x1c0: {  	s11 =	simm.s32 $0x7000  }
0x1c1: {  	[tilespmem:s11], [sflag:$0x2] =	stream.indirect_vreg.gather [hbm4b:s6+s3], $0x80, v19, vm0, $0xb8;
	[tilespmem:$0x1C800] =	vst v63  }
0x1c2: {  	s19 =	simm.s32 $0x7800  }
0x1c3: {  	[tilespmem:s19], [sflag:$0x2] =	stream.indirect_vreg.gather [hbm4b:s7+s3], $0x80, v19, vm0, $0xb8;
	[tilespmem:$0x1C800] =	vst v63  }
0x1c4: {  	_ =	swait.ge [sflag:s12], $0x4000  }
0x1c5: {  	[sflag:s12] =	ssyncset.done $0x0  }
0x1c6: {  	s10 =	rddreg [dreg:$0xd];
	[sflag:s12] =	ssyncadd.s32 $0xFFFFC000  }
0x1c7: {  	[hbm4b:s10+s3] =	stream.linear.scatter [tilespmem:s15], [sflag:$0xC], $0x4000, $0x38;
	[tilespmem:$0x1C800] =	vst v63  }
0x1c8: {  	_ =	swait.ge [sflag:s16], $0x4000  }
0x1c9: {  	[sflag:s16] =	ssyncset.done $0x0  }
0x1ca: {  	s11 =	rddreg [dreg:$0xe];
	[sflag:s16] =	ssyncadd.s32 $0xFFFFC000  }
0x1cb: {  	[hbm4b:s11+s3] =	stream.linear.scatter [tilespmem:s4], [sflag:$0xD], $0x4000, $0x38;
	[tilespmem:$0x1C800] =	vst v63  }
0x1cc: {  	_ =	swait.ge [sflag:s17], $0x4000  }
0x1cd: {  	[sflag:s17] =	ssyncset.done $0x0  }
0x1ce: {  	s12 =	rddreg [dreg:$0xf];
	[sflag:s17] =	ssyncadd.s32 $0xFFFFC000  }
0x1cf: {  	[hbm4b:s12+s3] =	stream.linear.scatter [tilespmem:s2], [sflag:$0xE], $0x4000, $0x38;
	[tilespmem:$0x1C800] =	vst v63  }
0x1d0: {  	_ =	swait.ge [sflag:s14], $0x4000  }
0x1d1: {  	[sflag:s14] =	ssyncset.done $0x0  }
0x1d2: {  	s16 =	rddreg [dreg:$0x10];
	[sflag:s14] =	ssyncadd.s32 $0xFFFFC000  }
0x1d3: {  	[hbm4b:s16+s3] =	stream.linear.scatter [tilespmem:s3], [sflag:$0x8], $0x4000, $0x38;
	[tilespmem:$0x1C800] =	vst v63  }
0x1d4: {  	_ =	swait.ge [sflag:s26], $0x4000  }
0x1d5: {  	[sflag:s26] =	ssyncset.done $0x0  }
0x1d6: {  	s17 =	rddreg [dreg:$0x11];
	[sflag:s26] =	ssyncadd.s32 $0xFFFFC000  }
0x1d7: {  	[hbm4b:s17+s3] =	stream.linear.scatter [tilespmem:s0], [sflag:$0x9], $0x4000, $0x38;
	[tilespmem:$0x1C800] =	vst v63  }
0x1d8: {  	_ =	swait.ge [sflag:s13], $0x4000  }
0x1d9: {  	[sflag:s13] =	ssyncset.done $0x0  }
0x1da: {  	[sflag:s13] =	ssyncadd.s32 $0xFFFFC000  }
0x1db: {  	_ =	swait.ge [sflag:s20], $0x4000  }
0x1dc: {  	[sflag:s20] =	ssyncset.done $0x0  }
0x1dd: {  	[sflag:s20] =	ssyncadd.s32 $0xFFFFC000  }
0x1de: {  	_ =	swait.ge [sflag:s18], $0x4000  }
0x1df: {  	[sflag:s18] =	ssyncset.done $0x0  }
0x1e0: {  	[sflag:s18] =	ssyncadd.s32 $0xFFFFC000  }
0x1e1: {  	_ =	swait.ge [sflag:s21], $0x4000  }
0x1e2: {  	[sflag:s21] =	ssyncset.done $0x0  }
0x1e3: {  	[sflag:s21] =	ssyncadd.s32 $0xFFFFC000  }
0x1e4: {  	_ =	swait.ge [sflag:s22], $0x4000  }
0x1e5: {  	[sflag:s22] =	ssyncset.done $0x0  }
0x1e6: {  	[sflag:s22] =	ssyncadd.s32 $0xFFFFC000  }
0x1e7: {  	p0 =	sne.s32 s8, $0x1;
	_ =	swait.ge [sflag:s31], $0x4000  }
.Ltmp0:
0x1e8: {  	[sflag:s31] =	ssyncset.done $0x0;
	(pc) =	sbr.rel @p0 .LBB2_1-.Ltmp0, $4  }
0x1e9: {  	[sflag:s31] =	ssyncadd.s32 $0xFFFFC000  }
0x1ea: {  	_ =	swait.ge [sflag:s9], $0x4000  }
0x1eb: {  	[sflag:s9] =	ssyncset.done $0x0  }
0x1ec: {  	s8 =	sadd.s32 $0xFFFFFFFF, s8;
	[sflag:s9] =	ssyncadd.s32 $0xFFFFC000  }
0x1ed: {  	_ =	sfence.sel $0x180000  }
0x1ee: {  	[bflag:$0x0] =	sbarrier.arrive $0xFFFF  }
0x1ef: {  	_ =	strace $0x90000047  }
0x1f0: {  	s0 =	stileid.u32;
	[bflag:$0x2] =	sbarrier.arrive $0xFFFF  }
0x1f1: {  	p0 =	sne.s32 s0, $0x0;
	s0 =	rddreg [dreg:$0x2]  }
0x1f2: {  	s0 =	sadd.s32 @!p0 $0x100000, s0  }
0x1f3: {  	[sflag:s0] =	ssyncadd.tile.s32 @!p0 $0x1;
	_ =	shalt  }
.Lfunc_end2:
_tile_overlayer_lowered:
.L_overlay_start_2:
0x1f4: {  	(tag) =	ssettag $0x2  }
0x1f5: {  	s0 =	rddreg [dreg:$0x0];
	s2 =	stileid.u32  }
0x1f6: {  	s1 =	rddreg [dreg:$0x1];
	p0 =	sne.s32 s2, $0x0  }
0x1f7: {  	s3 =	rddreg [dreg:$0x2];
	[bflag:$0x3] =	sbarrier.arrive $0xFFFF;
	s2 =	simm.s32 @!p0 $0x1C0F  }
0x1f8: {  	[timem:s3], [sflag:s2] =	dma.local @!p0 [hbm:s0], s1  }
0x1f9: {  	s0 =	simm.s32 @!p0 $0xF  }
0x1fa: {  	_ =	swait.ge @!p0 [sflag:s0], s1  }
0x1fb: {  	s1 =	ssub.s32 @!p0 $0x0, s1;
	[sflag:s0] =	ssyncset.done @!p0 $0x0  }
0x1fc: {  	[sflag:s0] =	ssyncadd.s32 @!p0 s1  }
0x1fd: {  	[bflag:$0x3] =	sbarrier.arrive $0xFFFF  }
0x1fe: {  	_ =	shalt  }

</sc_bundles>
